<compile_context>
chip_gen: v7x
topology: tpu7x:2x2x1
jax: 0.10.2.dev20260603
libtpu: 0.0.44.dev20260713+nightly
codegen_flags: <defaults>
</compile_context>

<pallas_src>
import functools

import jax
import jax.numpy as jnp
from jax import lax
from jax.experimental import pallas as pl
from jax.experimental.pallas import tpu as pltpu
from jax.experimental.pallas import tpu_sc as plsc

_NUM_S = 256
_NUM_T = 32
_D = 1024


_TB = 8


def _build_body(spatio_ref, temporal_ref, out_ref):
    rows = temporal_ref[pl.ds(pl.program_id(0) * _TB, _TB), :]
    out_ref[...] = spatio_ref[...][None, :, :] + rows[:, None, :]


def _build_combined(spatio, temporal):
    out = pl.pallas_call(
        _build_body,
        grid=(_NUM_T // _TB,),
        in_specs=[
            pl.BlockSpec((_NUM_S, _D), lambda t: (0, 0)),
            pl.BlockSpec((_NUM_T, _D), lambda t: (0, 0)),
        ],
        out_specs=pl.BlockSpec((_TB, _NUM_S, _D), lambda t: (t, 0, 0)),
        out_shape=jax.ShapeDtypeStruct((_NUM_T, _NUM_S, _D), jnp.float32),
    )(spatio, temporal)
    return out.reshape(_NUM_T * _NUM_S, _D)


def _gather_rows(combined, positions, n_rows, c):
    info = plsc.get_sparse_core_info()
    nw = info.num_cores * info.num_subcores
    bpw = n_rows // nw
    n_chunks = bpw // c
    wpr = positions.shape[1] // bpw

    mesh = plsc.VectorSubcoreMesh(core_axis_name="c", subcore_axis_name="s")

    nb = 3

    @functools.partial(
        pl.kernel,
        mesh=mesh,
        out_type=jax.ShapeDtypeStruct((n_rows, _D), jnp.float32),
        scratch_types=[
            pltpu.VMEM((bpw,), jnp.int32),
            pltpu.VMEM((c, _D), jnp.float32),
            pltpu.VMEM((c, _D), jnp.float32),
            pltpu.VMEM((c, _D), jnp.float32),
            pltpu.SemaphoreType.DMA,
            pltpu.SemaphoreType.DMA,
            pltpu.SemaphoreType.DMA,
            pltpu.SemaphoreType.DMA,
            pltpu.SemaphoreType.DMA,
            pltpu.SemaphoreType.DMA,
        ],
    )
    def k(comb_hbm, pos_hbm, out_hbm, idx_v, b0, b1, b2, g0, g1, g2, o0, o1, o2):
        wid = lax.axis_index("c") * info.num_subcores + lax.axis_index("s")
        base = wid * bpw
        pltpu.sync_copy(
            pos_hbm.at[wid // wpr, pl.ds((wid % wpr) * bpw, bpw)], idx_v
        )

        bufs, gs, osm = (b0, b1, b2), (g0, g1, g2), (o0, o1, o2)

        def gather_desc(j, b):
            return pltpu.make_async_copy(
                comb_hbm.at[idx_v.at[pl.ds(j * c, c)]], bufs[b], gs[b]
            )

        def out_desc(j, b):
            return pltpu.make_async_copy(
                bufs[b], out_hbm.at[pl.ds(base + j * c, c)], osm[b]
            )

        def step(j, b):
            gather_desc(j, b).wait()
            out_desc(j, b).start()

            @pl.when(j + 2 < n_chunks)
            def _():
                @pl.when(j >= 1)
                def _():
                    out_desc(j - 1, (b + 2) % nb).wait()

                gather_desc(j + 2, (b + 2) % nb).start()

        gather_desc(0, 0).start()
        gather_desc(1, 1).start()
        step(0, 0)

        def g_body(g, carry):
            for m in range(nb):
                j = 1 + nb * g + m
                step(j, (1 + m) % nb)
            return carry

        lax.fori_loop(0, (n_chunks - 2) // nb, g_body, 0)
        step(n_chunks - 1, (n_chunks - 1) % nb)
        for j in (n_chunks - 3, n_chunks - 2, n_chunks - 1):
            out_desc(j, j % nb).wait()

    return k(combined, positions)


def kernel(positions, spatio_table, temporal_table):
    combined = _build_combined(spatio_table, temporal_table)
    n_rows = positions.size
    c = 32
    out = _gather_rows(combined, positions.astype(jnp.int32), n_rows, c)
    return out.reshape(positions.shape + (_D,))

# --- scband reference (transcript-rebuilt; emitter-appended) ---
"""Pipeline reference for scband-learnable-factorized-spatio-temporal-positional-embedding-2156073582598 (READ-ONLY COPY).

The authoritative reference and input builder live on the scoring server;
editing this copy changes nothing except your own understanding.
"""

import jax, jax.numpy as jnp
import numpy as np

NUM_SPATIO = 256
NUM_TEMPORAL = 32
EMBED_DIM = 1024

def setup_inputs(seed: int = 0) -> dict:
    key = jax.random.key(seed)
    k1, k2, k3 = jax.random.split(key, 3)
    positions = jax.random.randint(k1, (4, 8192), 0, NUM_SPATIO * NUM_TEMPORAL, dtype=jnp.int64 if jax.config.jax_enable_x64 else jnp.int32)
    spatio_table = jax.random.normal(k2, (NUM_SPATIO, EMBED_DIM), dtype=jnp.float32)
    temporal_table = jax.random.normal(k3, (NUM_TEMPORAL, EMBED_DIM), dtype=jnp.float32)
    return {"positions": positions, "spatio_table": spatio_table, "temporal_table": temporal_table}

def reference(positions, spatio_table, temporal_table):
    spatio_indices = positions % NUM_SPATIO
    temporal_indices = positions // NUM_SPATIO
    spatio_emb = jnp.take(spatio_table, spatio_indices, axis=0)
    temporal_emb = jnp.take(temporal_table, temporal_indices, axis=0)
    return spatio_emb + temporal_emb

if __name__ == "__main__":
    import jax
    _d = setup_inputs()
    print(jax.jit(kernel)(*tuple(_d.values())))

</pallas_src>

<mosaic_0001>
#map = affine_map<(d0, d1) -> (0, 0)>
module attributes {stable_mosaic.version = 14 : i64} {
  func.func @k(%arg0: i32, %arg1: i32, %arg2: memref<8192x1024xf32, #tpu.memory_space<hbm>>, %arg3: memref<4x8192xi32, #tpu.memory_space<hbm>>, %arg4: memref<32768x1024xf32, #tpu.memory_space<hbm>>, %arg5: memref<1024xi32, #tpu.memory_space<vmem>>, %arg6: memref<32x1024xf32, #tpu.memory_space<vmem>>, %arg7: memref<32x1024xf32, #tpu.memory_space<vmem>>, %arg8: memref<32x1024xf32, #tpu.memory_space<vmem>>, %arg9: memref<!tpu.dma_semaphore, #tpu.memory_space<semaphore_mem>>, %arg10: memref<!tpu.dma_semaphore, #tpu.memory_space<semaphore_mem>>, %arg11: memref<!tpu.dma_semaphore, #tpu.memory_space<semaphore_mem>>, %arg12: memref<!tpu.dma_semaphore, #tpu.memory_space<semaphore_mem>>, %arg13: memref<!tpu.dma_semaphore, #tpu.memory_space<semaphore_mem>>, %arg14: memref<!tpu.dma_semaphore, #tpu.memory_space<semaphore_mem>>) attributes {dimension_semantics = [#tpu.dimension_semantics<core_parallel>, #tpu.dimension_semantics<subcore_parallel>], iteration_bounds = array<i64: 2, 16>, scalar_prefetch = 0 : i64, scratch_operands = 10 : i64, tpu.core_type = #tpu.core_type<sc_vector_subcore>, window_params = [{transform_indices = #map}, {transform_indices = #map}, {transform_indices = #map}]} {
    %mul3A = arith.constant 16 : i32
    %mul3A_0 = arith.muli %arg0, %mul3A : i32
    %add3A = arith.addi %mul3A_0, %arg1 : i32
    %mul3A_1 = arith.constant 1024 : i32
    %mul3A_2 = arith.muli %add3A, %mul3A_1 : i32
    %jit3A = arith.constant 8 : i32
    %div3A = arith.divsi %add3A, %jit3A : i32
    %sign3A = arith.constant 0 : i32
    %sign3A_3 = arith.cmpi sgt, %add3A, %sign3A : i32
    %sign3A_4 = arith.extui %sign3A_3 : i1 to i32
    %sign3A_5 = arith.constant 0 : i32
    %sign3A_6 = arith.cmpi slt, %add3A, %sign3A_5 : i32
    %sign3A_7 = arith.extui %sign3A_6 : i1 to i32
    %sign3A_8 = arith.subi %sign3A_4, %sign3A_7 : i32
    %sign3A_9 = arith.constant 0 : i32
    %sign3A_10 = arith.cmpi sgt, %jit3A, %sign3A_9 : i32
    %sign3A_11 = arith.extui %sign3A_10 : i1 to i32
    %sign3A_12 = arith.constant 0 : i32
    %sign3A_13 = arith.cmpi slt, %jit3A, %sign3A_12 : i32
    %sign3A_14 = arith.extui %sign3A_13 : i1 to i32
    %sign3A_15 = arith.subi %sign3A_11, %sign3A_14 : i32
    %ne3A = arith.cmpi ne, %sign3A_8, %sign3A_15 : i32
    %rem3A = arith.remsi %add3A, %jit3A : i32
    %ne3A_16 = arith.constant 0 : i32
    %ne3A_17 = arith.cmpi ne, %rem3A, %ne3A_16 : i32
    %and3A = arith.andi %ne3A, %ne3A_17 : i1
    %sub3A = arith.constant 1 : i32
    %sub3A_18 = arith.subi %div3A, %sub3A : i32
    %select_n3A = arith.select %and3A, %sub3A_18, %div3A : i32
    %jit3A_19 = arith.constant 8 : i32
    %eq3A = arith.constant 0 : i32
    %eq3A_20 = arith.cmpi eq, %jit3A_19, %eq3A : i32
    %jit3A_21 = arith.constant 1 : i32
    %select_n3A_22 = arith.select %eq3A_20, %jit3A_21, %jit3A_19 : i32
    %rem3A_23 = arith.remsi %add3A, %select_n3A_22 : i32
    %ne3A_24 = arith.constant 0 : i32
    %ne3A_25 = arith.cmpi ne, %rem3A_23, %ne3A_24 : i32
    %lt3A = arith.constant 0 : i32
    %lt3A_26 = arith.cmpi slt, %rem3A_23, %lt3A : i32
    %lt3A_27 = arith.constant 0 : i32
    %lt3A_28 = arith.cmpi slt, %select_n3A_22, %lt3A_27 : i32
    %ne3A_29 = arith.xori %lt3A_26, %lt3A_28 : i1
    %and3A_30 = arith.andi %ne3A_29, %ne3A_25 : i1
    %add3A_31 = arith.addi %rem3A_23, %select_n3A_22 : i32
    %select_n3A_32 = arith.select %and3A_30, %add3A_31, %rem3A_23 : i32
    %mul3A_33 = arith.constant 1024 : i32
    %mul3A_34 = arith.muli %select_n3A_32, %mul3A_33 : i32
    "tpu.region"() ({
      %run_scoped3A = tpu.sem_alloc : memref<!tpu.dma_semaphore, #tpu.memory_space<semaphore_mem>>
      %dma_start3A_93 = tpu.memref_slice %arg3[%select_n3A, %mul3A_34] : memref<4x8192xi32, #tpu.memory_space<hbm>> -> memref<1x1024xi32, #tpu.memory_space<hbm>>
      %dma_start3A_94 = tpu.memref_squeeze %dma_start3A_93 : memref<1x1024xi32, #tpu.memory_space<hbm>> -> memref<1024xi32, #tpu.memory_space<hbm>>
      %dma_start3A_95 = tpu.memref_slice %arg3[%select_n3A, %mul3A_34] : memref<4x8192xi32, #tpu.memory_space<hbm>> -> memref<1x1024xi32, #tpu.memory_space<hbm>>
      %dma_start3A_96 = tpu.memref_squeeze %dma_start3A_95 : memref<1x1024xi32, #tpu.memory_space<hbm>> -> memref<1024xi32, #tpu.memory_space<hbm>>
      tpu.enqueue_dma source(%dma_start3A_96 : memref<1024xi32, #tpu.memory_space<hbm>>) target(%arg5 : memref<1024xi32, #tpu.memory_space<vmem>>) target_semaphore(%run_scoped3A : memref<!tpu.dma_semaphore, #tpu.memory_space<semaphore_mem>>)
      %dma_wait3A_97 = tpu.memref_slice %arg3[%select_n3A, %mul3A_34] : memref<4x8192xi32, #tpu.memory_space<hbm>> -> memref<1x1024xi32, #tpu.memory_space<hbm>>
      %dma_wait3A_98 = tpu.memref_squeeze %dma_wait3A_97 : memref<1x1024xi32, #tpu.memory_space<hbm>> -> memref<1024xi32, #tpu.memory_space<hbm>>
      %dma_wait3A_99 = tpu.memref_slice %arg3[%select_n3A, %mul3A_34] : memref<4x8192xi32, #tpu.memory_space<hbm>> -> memref<1x1024xi32, #tpu.memory_space<hbm>>
      %dma_wait3A_100 = tpu.memref_squeeze %dma_wait3A_99 : memref<1x1024xi32, #tpu.memory_space<hbm>> -> memref<1024xi32, #tpu.memory_space<hbm>>
      tpu.wait_dma2 semaphore(%run_scoped3A : memref<!tpu.dma_semaphore, #tpu.memory_space<semaphore_mem>>) src(%dma_wait3A_100 : memref<1024xi32, #tpu.memory_space<hbm>>) dst(%arg5 : memref<1024xi32, #tpu.memory_space<vmem>>)
      tpu.yield
    }) : () -> ()
    %dma_start3A = arith.constant 0 : i32
    %dma_start3A_35 = tpu.memref_slice %arg5[%dma_start3A] : memref<1024xi32, #tpu.memory_space<vmem>> -> memref<32xi32, #tpu.memory_space<vmem>>
    %dma_start3A_36 = arith.constant 0 : i32
    %dma_start3A_37 = arith.constant 0 : i32
    %dma_start3A_38 = tpu.memref_slice %arg2[%dma_start3A_36, %dma_start3A_37] : memref<8192x1024xf32, #tpu.memory_space<hbm>> -> memref<8192x1024xf32, #tpu.memory_space<hbm>>
    tpu.enqueue_indirect_dma source(%dma_start3A_38 : memref<8192x1024xf32, #tpu.memory_space<hbm>>) target(%arg6 : memref<32x1024xf32, #tpu.memory_space<vmem>>) offsets(%dma_start3A_35 : memref<32xi32, #tpu.memory_space<vmem>>) semaphore(%arg9 : memref<!tpu.dma_semaphore, #tpu.memory_space<semaphore_mem>>)
    %dma_start3A_39 = arith.constant 32 : i32
    %dma_start3A_40 = tpu.memref_slice %arg5[%dma_start3A_39] : memref<1024xi32, #tpu.memory_space<vmem>> -> memref<32xi32, #tpu.memory_space<vmem>>
    %dma_start3A_41 = arith.constant 0 : i32
    %dma_start3A_42 = arith.constant 0 : i32
    %dma_start3A_43 = tpu.memref_slice %arg2[%dma_start3A_41, %dma_start3A_42] : memref<8192x1024xf32, #tpu.memory_space<hbm>> -> memref<8192x1024xf32, #tpu.memory_space<hbm>>
    tpu.enqueue_indirect_dma source(%dma_start3A_43 : memref<8192x1024xf32, #tpu.memory_space<hbm>>) target(%arg7 : memref<32x1024xf32, #tpu.memory_space<vmem>>) offsets(%dma_start3A_40 : memref<32xi32, #tpu.memory_space<vmem>>) semaphore(%arg10 : memref<!tpu.dma_semaphore, #tpu.memory_space<semaphore_mem>>)
    %dma_wait3A = arith.constant 0 : i32
    %dma_wait3A_44 = tpu.memref_slice %arg5[%dma_wait3A] : memref<1024xi32, #tpu.memory_space<vmem>> -> memref<32xi32, #tpu.memory_space<vmem>>
    %dma_wait3A_45 = arith.constant 0 : i32
    %dma_wait3A_46 = arith.constant 0 : i32
    %dma_wait3A_47 = tpu.memref_slice %arg2[%dma_wait3A_45, %dma_wait3A_46] : memref<8192x1024xf32, #tpu.memory_space<hbm>> -> memref<8192x1024xf32, #tpu.memory_space<hbm>>
    tpu.wait_indirect_dma semaphore(%arg9 : memref<!tpu.dma_semaphore, #tpu.memory_space<semaphore_mem>>) src(%dma_wait3A_47 : memref<8192x1024xf32, #tpu.memory_space<hbm>>) dst(%arg6 : memref<32x1024xf32, #tpu.memory_space<vmem>>)
    %add3A_48 = arith.constant 0 : i32
    %add3A_49 = arith.addi %mul3A_2, %add3A_48 : i32
    %dma_start3A_50 = arith.constant 0 : i32
    %dma_start3A_51 = tpu.memref_slice %arg4[%add3A_49, %dma_start3A_50] : memref<32768x1024xf32, #tpu.memory_space<hbm>> -> memref<32x1024xf32, #tpu.memory_space<hbm>>
    %dma_start3A_52 = arith.constant 0 : i32
    %dma_start3A_53 = tpu.memref_slice %arg4[%add3A_49, %dma_start3A_52] : memref<32768x1024xf32, #tpu.memory_space<hbm>> -> memref<32x1024xf32, #tpu.memory_space<hbm>>
    tpu.enqueue_dma source(%arg6 : memref<32x1024xf32, #tpu.memory_space<vmem>>) target(%dma_start3A_53 : memref<32x1024xf32, #tpu.memory_space<hbm>>) target_semaphore(%arg12 : memref<!tpu.dma_semaphore, #tpu.memory_space<semaphore_mem>>)
    %dma_start3A_54 = arith.constant 64 : i32
    %dma_start3A_55 = tpu.memref_slice %arg5[%dma_start3A_54] : memref<1024xi32, #tpu.memory_space<vmem>> -> memref<32xi32, #tpu.memory_space<vmem>>
    %dma_start3A_56 = arith.constant 0 : i32
    %dma_start3A_57 = arith.constant 0 : i32
    %dma_start3A_58 = tpu.memref_slice %arg2[%dma_start3A_56, %dma_start3A_57] : memref<8192x1024xf32, #tpu.memory_space<hbm>> -> memref<8192x1024xf32, #tpu.memory_space<hbm>>
    tpu.enqueue_indirect_dma source(%dma_start3A_58 : memref<8192x1024xf32, #tpu.memory_space<hbm>>) target(%arg8 : memref<32x1024xf32, #tpu.memory_space<vmem>>) offsets(%dma_start3A_55 : memref<32xi32, #tpu.memory_space<vmem>>) semaphore(%arg11 : memref<!tpu.dma_semaphore, #tpu.memory_space<semaphore_mem>>)
    %scan3A = arith.constant 0 : i32
    %scan3A_59 = arith.constant 0 : i32
    %scan3A_60 = arith.constant 10 : i32
    %scan3A_61 = arith.addi %scan3A_59, %scan3A_60 : i32
    %scan3A_62 = arith.constant 1 : i32
    scf.for %scan3A_93 = %scan3A_59 to %scan3A_61 step %scan3A_62  : i32 {
      %mul3A_94 = arith.constant 3 : i32
      %mul3A_95 = arith.muli %mul3A_94, %scan3A_93 : i32
      %add3A_96 = arith.constant 1 : i32
      %add3A_97 = arith.addi %add3A_96, %mul3A_95 : i32
      %add3A_98 = arith.constant 0 : i32
      %add3A_99 = arith.addi %add3A_97, %add3A_98 : i32
      %mul3A_100 = arith.constant 32 : i32
      %mul3A_101 = arith.muli %add3A_99, %mul3A_100 : i32
      %dma_wait3A_102 = tpu.memref_slice %arg5[%mul3A_101] : memref<1024xi32, #tpu.memory_space<vmem>> -> memref<32xi32, #tpu.memory_space<vmem>>
      %dma_wait3A_103 = arith.constant 0 : i32
      %dma_wait3A_104 = arith.constant 0 : i32
      %dma_wait3A_105 = tpu.memref_slice %arg2[%dma_wait3A_103, %dma_wait3A_104] : memref<8192x1024xf32, #tpu.memory_space<hbm>> -> memref<8192x1024xf32, #tpu.memory_space<hbm>>
      tpu.wait_indirect_dma semaphore(%arg10 : memref<!tpu.dma_semaphore, #tpu.memory_space<semaphore_mem>>) src(%dma_wait3A_105 : memref<8192x1024xf32, #tpu.memory_space<hbm>>) dst(%arg7 : memref<32x1024xf32, #tpu.memory_space<vmem>>)
      %mul3A_106 = arith.constant 32 : i32
      %mul3A_107 = arith.muli %add3A_99, %mul3A_106 : i32
      %add3A_108 = arith.addi %mul3A_2, %mul3A_107 : i32
      %dma_start3A_109 = arith.constant 0 : i32
      %dma_start3A_110 = tpu.memref_slice %arg4[%add3A_108, %dma_start3A_109] : memref<32768x1024xf32, #tpu.memory_space<hbm>> -> memref<32x1024xf32, #tpu.memory_space<hbm>>
      %dma_start3A_111 = arith.constant 0 : i32
      %dma_start3A_112 = tpu.memref_slice %arg4[%add3A_108, %dma_start3A_111] : memref<32768x1024xf32, #tpu.memory_space<hbm>> -> memref<32x1024xf32, #tpu.memory_space<hbm>>
      tpu.enqueue_dma source(%arg7 : memref<32x1024xf32, #tpu.memory_space<vmem>>) target(%dma_start3A_112 : memref<32x1024xf32, #tpu.memory_space<hbm>>) target_semaphore(%arg13 : memref<!tpu.dma_semaphore, #tpu.memory_space<semaphore_mem>>)
      %add3A_113 = arith.constant 2 : i32
      %add3A_114 = arith.addi %add3A_99, %add3A_113 : i32
      %lt3A_115 = arith.constant 32 : i32
      %lt3A_116 = arith.cmpi slt, %add3A_114, %lt3A_115 : i32
      %convert_element_type3A = arith.extui %lt3A_116 : i1 to i32
      %cond3A = arith.constant 0 : i32
      %cond3A_117 = arith.cmpi ne, %convert_element_type3A, %cond3A : i32
      scf.if %cond3A_117 {
        %ge3A = arith.constant 1 : i32
        %ge3A_170 = arith.cmpi sge, %add3A_99, %ge3A : i32
        %convert_element_type3A_171 = arith.extui %ge3A_170 : i1 to i32
        %cond3A_172 = arith.constant 0 : i32
        %cond3A_173 = arith.cmpi ne, %convert_element_type3A_171, %cond3A_172 : i32
        scf.if %cond3A_173 {
          %sub3A_182 = arith.constant 1 : i32
          %sub3A_183 = arith.subi %add3A_99, %sub3A_182 : i32
          %mul3A_184 = arith.constant 32 : i32
          %mul3A_185 = arith.muli %sub3A_183, %mul3A_184 : i32
          %add3A_186 = arith.addi %mul3A_2, %mul3A_185 : i32
          %dma_wait3A_187 = arith.constant 0 : i32
          %dma_wait3A_188 = tpu.memref_slice %arg4[%add3A_186, %dma_wait3A_187] : memref<32768x1024xf32, #tpu.memory_space<hbm>> -> memref<32x1024xf32, #tpu.memory_space<hbm>>
          %dma_wait3A_189 = arith.constant 0 : i32
          %dma_wait3A_190 = tpu.memref_slice %arg4[%add3A_186, %dma_wait3A_189] : memref<32768x1024xf32, #tpu.memory_space<hbm>> -> memref<32x1024xf32, #tpu.memory_space<hbm>>
          tpu.wait_dma2 semaphore(%arg12 : memref<!tpu.dma_semaphore, #tpu.memory_space<semaphore_mem>>) src(%arg6 : memref<32x1024xf32, #tpu.memory_space<vmem>>) dst(%dma_wait3A_190 : memref<32x1024xf32, #tpu.memory_space<hbm>>)
        } else {
        }
        %add3A_174 = arith.constant 2 : i32
        %add3A_175 = arith.addi %add3A_99, %add3A_174 : i32
        %mul3A_176 = arith.constant 32 : i32
        %mul3A_177 = arith.muli %add3A_175, %mul3A_176 : i32
        %dma_start3A_178 = tpu.memref_slice %arg5[%mul3A_177] : memref<1024xi32, #tpu.memory_space<vmem>> -> memref<32xi32, #tpu.memory_space<vmem>>
        %dma_start3A_179 = arith.constant 0 : i32
        %dma_start3A_180 = arith.constant 0 : i32
        %dma_start3A_181 = tpu.memref_slice %arg2[%dma_start3A_179, %dma_start3A_180] : memref<8192x1024xf32, #tpu.memory_space<hbm>> -> memref<8192x1024xf32, #tpu.memory_space<hbm>>
        tpu.enqueue_indirect_dma source(%dma_start3A_181 : memref<8192x1024xf32, #tpu.memory_space<hbm>>) target(%arg6 : memref<32x1024xf32, #tpu.memory_space<vmem>>) offsets(%dma_start3A_178 : memref<32xi32, #tpu.memory_space<vmem>>) semaphore(%arg9 : memref<!tpu.dma_semaphore, #tpu.memory_space<semaphore_mem>>)
      } else {
      }
      %mul3A_118 = arith.constant 3 : i32
      %mul3A_119 = arith.muli %mul3A_118, %scan3A_93 : i32
      %add3A_120 = arith.constant 1 : i32
      %add3A_121 = arith.addi %add3A_120, %mul3A_119 : i32
      %add3A_122 = arith.constant 1 : i32
      %add3A_123 = arith.addi %add3A_121, %add3A_122 : i32
      %mul3A_124 = arith.constant 32 : i32
      %mul3A_125 = arith.muli %add3A_123, %mul3A_124 : i32
      %dma_wait3A_126 = tpu.memref_slice %arg5[%mul3A_125] : memref<1024xi32, #tpu.memory_space<vmem>> -> memref<32xi32, #tpu.memory_space<vmem>>
      %dma_wait3A_127 = arith.constant 0 : i32
      %dma_wait3A_128 = arith.constant 0 : i32
      %dma_wait3A_129 = tpu.memref_slice %arg2[%dma_wait3A_127, %dma_wait3A_128] : memref<8192x1024xf32, #tpu.memory_space<hbm>> -> memref<8192x1024xf32, #tpu.memory_space<hbm>>
      tpu.wait_indirect_dma semaphore(%arg11 : memref<!tpu.dma_semaphore, #tpu.memory_space<semaphore_mem>>) src(%dma_wait3A_129 : memref<8192x1024xf32, #tpu.memory_space<hbm>>) dst(%arg8 : memref<32x1024xf32, #tpu.memory_space<vmem>>)
      %mul3A_130 = arith.constant 32 : i32
      %mul3A_131 = arith.muli %add3A_123, %mul3A_130 : i32
      %add3A_132 = arith.addi %mul3A_2, %mul3A_131 : i32
      %dma_start3A_133 = arith.constant 0 : i32
      %dma_start3A_134 = tpu.memref_slice %arg4[%add3A_132, %dma_start3A_133] : memref<32768x1024xf32, #tpu.memory_space<hbm>> -> memref<32x1024xf32, #tpu.memory_space<hbm>>
      %dma_start3A_135 = arith.constant 0 : i32
      %dma_start3A_136 = tpu.memref_slice %arg4[%add3A_132, %dma_start3A_135] : memref<32768x1024xf32, #tpu.memory_space<hbm>> -> memref<32x1024xf32, #tpu.memory_space<hbm>>
      tpu.enqueue_dma source(%arg8 : memref<32x1024xf32, #tpu.memory_space<vmem>>) target(%dma_start3A_136 : memref<32x1024xf32, #tpu.memory_space<hbm>>) target_semaphore(%arg14 : memref<!tpu.dma_semaphore, #tpu.memory_space<semaphore_mem>>)
      %add3A_137 = arith.constant 2 : i32
      %add3A_138 = arith.addi %add3A_123, %add3A_137 : i32
      %lt3A_139 = arith.constant 32 : i32
      %lt3A_140 = arith.cmpi slt, %add3A_138, %lt3A_139 : i32
      %convert_element_type3A_141 = arith.extui %lt3A_140 : i1 to i32
      %cond3A_142 = arith.constant 0 : i32
      %cond3A_143 = arith.cmpi ne, %convert_element_type3A_141, %cond3A_142 : i32
      scf.if %cond3A_143 {
        %ge3A = arith.constant 1 : i32
        %ge3A_170 = arith.cmpi sge, %add3A_123, %ge3A : i32
        %convert_element_type3A_171 = arith.extui %ge3A_170 : i1 to i32
        %cond3A_172 = arith.constant 0 : i32
        %cond3A_173 = arith.cmpi ne, %convert_element_type3A_171, %cond3A_172 : i32
        scf.if %cond3A_173 {
          %sub3A_182 = arith.constant 1 : i32
          %sub3A_183 = arith.subi %add3A_123, %sub3A_182 : i32
          %mul3A_184 = arith.constant 32 : i32
          %mul3A_185 = arith.muli %sub3A_183, %mul3A_184 : i32
          %add3A_186 = arith.addi %mul3A_2, %mul3A_185 : i32
          %dma_wait3A_187 = arith.constant 0 : i32
          %dma_wait3A_188 = tpu.memref_slice %arg4[%add3A_186, %dma_wait3A_187] : memref<32768x1024xf32, #tpu.memory_space<hbm>> -> memref<32x1024xf32, #tpu.memory_space<hbm>>
          %dma_wait3A_189 = arith.constant 0 : i32
          %dma_wait3A_190 = tpu.memref_slice %arg4[%add3A_186, %dma_wait3A_189] : memref<32768x1024xf32, #tpu.memory_space<hbm>> -> memref<32x1024xf32, #tpu.memory_space<hbm>>
          tpu.wait_dma2 semaphore(%arg13 : memref<!tpu.dma_semaphore, #tpu.memory_space<semaphore_mem>>) src(%arg7 : memref<32x1024xf32, #tpu.memory_space<vmem>>) dst(%dma_wait3A_190 : memref<32x1024xf32, #tpu.memory_space<hbm>>)
        } else {
        }
        %add3A_174 = arith.constant 2 : i32
        %add3A_175 = arith.addi %add3A_123, %add3A_174 : i32
        %mul3A_176 = arith.constant 32 : i32
        %mul3A_177 = arith.muli %add3A_175, %mul3A_176 : i32
        %dma_start3A_178 = tpu.memref_slice %arg5[%mul3A_177] : memref<1024xi32, #tpu.memory_space<vmem>> -> memref<32xi32, #tpu.memory_space<vmem>>
        %dma_start3A_179 = arith.constant 0 : i32
        %dma_start3A_180 = arith.constant 0 : i32
        %dma_start3A_181 = tpu.memref_slice %arg2[%dma_start3A_179, %dma_start3A_180] : memref<8192x1024xf32, #tpu.memory_space<hbm>> -> memref<8192x1024xf32, #tpu.memory_space<hbm>>
        tpu.enqueue_indirect_dma source(%dma_start3A_181 : memref<8192x1024xf32, #tpu.memory_space<hbm>>) target(%arg7 : memref<32x1024xf32, #tpu.memory_space<vmem>>) offsets(%dma_start3A_178 : memref<32xi32, #tpu.memory_space<vmem>>) semaphore(%arg10 : memref<!tpu.dma_semaphore, #tpu.memory_space<semaphore_mem>>)
      } else {
      }
      %mul3A_144 = arith.constant 3 : i32
      %mul3A_145 = arith.muli %mul3A_144, %scan3A_93 : i32
      %add3A_146 = arith.constant 1 : i32
      %add3A_147 = arith.addi %add3A_146, %mul3A_145 : i32
      %add3A_148 = arith.constant 2 : i32
      %add3A_149 = arith.addi %add3A_147, %add3A_148 : i32
      %mul3A_150 = arith.constant 32 : i32
      %mul3A_151 = arith.muli %add3A_149, %mul3A_150 : i32
      %dma_wait3A_152 = tpu.memref_slice %arg5[%mul3A_151] : memref<1024xi32, #tpu.memory_space<vmem>> -> memref<32xi32, #tpu.memory_space<vmem>>
      %dma_wait3A_153 = arith.constant 0 : i32
      %dma_wait3A_154 = arith.constant 0 : i32
      %dma_wait3A_155 = tpu.memref_slice %arg2[%dma_wait3A_153, %dma_wait3A_154] : memref<8192x1024xf32, #tpu.memory_space<hbm>> -> memref<8192x1024xf32, #tpu.memory_space<hbm>>
      tpu.wait_indirect_dma semaphore(%arg9 : memref<!tpu.dma_semaphore, #tpu.memory_space<semaphore_mem>>) src(%dma_wait3A_155 : memref<8192x1024xf32, #tpu.memory_space<hbm>>) dst(%arg6 : memref<32x1024xf32, #tpu.memory_space<vmem>>)
      %mul3A_156 = arith.constant 32 : i32
      %mul3A_157 = arith.muli %add3A_149, %mul3A_156 : i32
      %add3A_158 = arith.addi %mul3A_2, %mul3A_157 : i32
      %dma_start3A_159 = arith.constant 0 : i32
      %dma_start3A_160 = tpu.memref_slice %arg4[%add3A_158, %dma_start3A_159] : memref<32768x1024xf32, #tpu.memory_space<hbm>> -> memref<32x1024xf32, #tpu.memory_space<hbm>>
      %dma_start3A_161 = arith.constant 0 : i32
      %dma_start3A_162 = tpu.memref_slice %arg4[%add3A_158, %dma_start3A_161] : memref<32768x1024xf32, #tpu.memory_space<hbm>> -> memref<32x1024xf32, #tpu.memory_space<hbm>>
      tpu.enqueue_dma source(%arg6 : memref<32x1024xf32, #tpu.memory_space<vmem>>) target(%dma_start3A_162 : memref<32x1024xf32, #tpu.memory_space<hbm>>) target_semaphore(%arg12 : memref<!tpu.dma_semaphore, #tpu.memory_space<semaphore_mem>>)
      %add3A_163 = arith.constant 2 : i32
      %add3A_164 = arith.addi %add3A_149, %add3A_163 : i32
      %lt3A_165 = arith.constant 32 : i32
      %lt3A_166 = arith.cmpi slt, %add3A_164, %lt3A_165 : i32
      %convert_element_type3A_167 = arith.extui %lt3A_166 : i1 to i32
      %cond3A_168 = arith.constant 0 : i32
      %cond3A_169 = arith.cmpi ne, %convert_element_type3A_167, %cond3A_168 : i32
      scf.if %cond3A_169 {
        %ge3A = arith.constant 1 : i32
        %ge3A_170 = arith.cmpi sge, %add3A_149, %ge3A : i32
        %convert_element_type3A_171 = arith.extui %ge3A_170 : i1 to i32
        %cond3A_172 = arith.constant 0 : i32
        %cond3A_173 = arith.cmpi ne, %convert_element_type3A_171, %cond3A_172 : i32
        scf.if %cond3A_173 {
          %sub3A_182 = arith.constant 1 : i32
          %sub3A_183 = arith.subi %add3A_149, %sub3A_182 : i32
          %mul3A_184 = arith.constant 32 : i32
          %mul3A_185 = arith.muli %sub3A_183, %mul3A_184 : i32
          %add3A_186 = arith.addi %mul3A_2, %mul3A_185 : i32
          %dma_wait3A_187 = arith.constant 0 : i32
          %dma_wait3A_188 = tpu.memref_slice %arg4[%add3A_186, %dma_wait3A_187] : memref<32768x1024xf32, #tpu.memory_space<hbm>> -> memref<32x1024xf32, #tpu.memory_space<hbm>>
          %dma_wait3A_189 = arith.constant 0 : i32
          %dma_wait3A_190 = tpu.memref_slice %arg4[%add3A_186, %dma_wait3A_189] : memref<32768x1024xf32, #tpu.memory_space<hbm>> -> memref<32x1024xf32, #tpu.memory_space<hbm>>
          tpu.wait_dma2 semaphore(%arg14 : memref<!tpu.dma_semaphore, #tpu.memory_space<semaphore_mem>>) src(%arg8 : memref<32x1024xf32, #tpu.memory_space<vmem>>) dst(%dma_wait3A_190 : memref<32x1024xf32, #tpu.memory_space<hbm>>)
        } else {
        }
        %add3A_174 = arith.constant 2 : i32
        %add3A_175 = arith.addi %add3A_149, %add3A_174 : i32
        %mul3A_176 = arith.constant 32 : i32
        %mul3A_177 = arith.muli %add3A_175, %mul3A_176 : i32
        %dma_start3A_178 = tpu.memref_slice %arg5[%mul3A_177] : memref<1024xi32, #tpu.memory_space<vmem>> -> memref<32xi32, #tpu.memory_space<vmem>>
        %dma_start3A_179 = arith.constant 0 : i32
        %dma_start3A_180 = arith.constant 0 : i32
        %dma_start3A_181 = tpu.memref_slice %arg2[%dma_start3A_179, %dma_start3A_180] : memref<8192x1024xf32, #tpu.memory_space<hbm>> -> memref<8192x1024xf32, #tpu.memory_space<hbm>>
        tpu.enqueue_indirect_dma source(%dma_start3A_181 : memref<8192x1024xf32, #tpu.memory_space<hbm>>) target(%arg8 : memref<32x1024xf32, #tpu.memory_space<vmem>>) offsets(%dma_start3A_178 : memref<32xi32, #tpu.memory_space<vmem>>) semaphore(%arg11 : memref<!tpu.dma_semaphore, #tpu.memory_space<semaphore_mem>>)
      } else {
      }
    }
    %scan3A_63 = arith.constant 10 : i32
    %dma_wait3A_64 = arith.constant 992 : i32
    %dma_wait3A_65 = tpu.memref_slice %arg5[%dma_wait3A_64] : memref<1024xi32, #tpu.memory_space<vmem>> -> memref<32xi32, #tpu.memory_space<vmem>>
    %dma_wait3A_66 = arith.constant 0 : i32
    %dma_wait3A_67 = arith.constant 0 : i32
    %dma_wait3A_68 = tpu.memref_slice %arg2[%dma_wait3A_66, %dma_wait3A_67] : memref<8192x1024xf32, #tpu.memory_space<hbm>> -> memref<8192x1024xf32, #tpu.memory_space<hbm>>
    tpu.wait_indirect_dma semaphore(%arg10 : memref<!tpu.dma_semaphore, #tpu.memory_space<semaphore_mem>>) src(%dma_wait3A_68 : memref<8192x1024xf32, #tpu.memory_space<hbm>>) dst(%arg7 : memref<32x1024xf32, #tpu.memory_space<vmem>>)
    %add3A_69 = arith.constant 992 : i32
    %add3A_70 = arith.addi %mul3A_2, %add3A_69 : i32
    %dma_start3A_71 = arith.constant 0 : i32
    %dma_start3A_72 = tpu.memref_slice %arg4[%add3A_70, %dma_start3A_71] : memref<32768x1024xf32, #tpu.memory_space<hbm>> -> memref<32x1024xf32, #tpu.memory_space<hbm>>
    %dma_start3A_73 = arith.constant 0 : i32
    %dma_start3A_74 = tpu.memref_slice %arg4[%add3A_70, %dma_start3A_73] : memref<32768x1024xf32, #tpu.memory_space<hbm>> -> memref<32x1024xf32, #tpu.memory_space<hbm>>
    tpu.enqueue_dma source(%arg7 : memref<32x1024xf32, #tpu.memory_space<vmem>>) target(%dma_start3A_74 : memref<32x1024xf32, #tpu.memory_space<hbm>>) target_semaphore(%arg13 : memref<!tpu.dma_semaphore, #tpu.memory_space<semaphore_mem>>)
    %add3A_75 = arith.constant 928 : i32
    %add3A_76 = arith.addi %mul3A_2, %add3A_75 : i32
    %dma_wait3A_77 = arith.constant 0 : i32
    %dma_wait3A_78 = tpu.memref_slice %arg4[%add3A_76, %dma_wait3A_77] : memref<32768x1024xf32, #tpu.memory_space<hbm>> -> memref<32x1024xf32, #tpu.memory_space<hbm>>
    %dma_wait3A_79 = arith.constant 0 : i32
    %dma_wait3A_80 = tpu.memref_slice %arg4[%add3A_76, %dma_wait3A_79] : memref<32768x1024xf32, #tpu.memory_space<hbm>> -> memref<32x1024xf32, #tpu.memory_space<hbm>>
    tpu.wait_dma2 semaphore(%arg14 : memref<!tpu.dma_semaphore, #tpu.memory_space<semaphore_mem>>) src(%arg8 : memref<32x1024xf32, #tpu.memory_space<vmem>>) dst(%dma_wait3A_80 : memref<32x1024xf32, #tpu.memory_space<hbm>>)
    %add3A_81 = arith.constant 960 : i32
    %add3A_82 = arith.addi %mul3A_2, %add3A_81 : i32
    %dma_wait3A_83 = arith.constant 0 : i32
    %dma_wait3A_84 = tpu.memref_slice %arg4[%add3A_82, %dma_wait3A_83] : memref<32768x1024xf32, #tpu.memory_space<hbm>> -> memref<32x1024xf32, #tpu.memory_space<hbm>>
    %dma_wait3A_85 = arith.constant 0 : i32
    %dma_wait3A_86 = tpu.memref_slice %arg4[%add3A_82, %dma_wait3A_85] : memref<32768x1024xf32, #tpu.memory_space<hbm>> -> memref<32x1024xf32, #tpu.memory_space<hbm>>
    tpu.wait_dma2 semaphore(%arg12 : memref<!tpu.dma_semaphore, #tpu.memory_space<semaphore_mem>>) src(%arg6 : memref<32x1024xf32, #tpu.memory_space<vmem>>) dst(%dma_wait3A_86 : memref<32x1024xf32, #tpu.memory_space<hbm>>)
    %add3A_87 = arith.constant 992 : i32
    %add3A_88 = arith.addi %mul3A_2, %add3A_87 : i32
    %dma_wait3A_89 = arith.constant 0 : i32
    %dma_wait3A_90 = tpu.memref_slice %arg4[%add3A_88, %dma_wait3A_89] : memref<32768x1024xf32, #tpu.memory_space<hbm>> -> memref<32x1024xf32, #tpu.memory_space<hbm>>
    %dma_wait3A_91 = arith.constant 0 : i32
    %dma_wait3A_92 = tpu.memref_slice %arg4[%add3A_88, %dma_wait3A_91] : memref<32768x1024xf32, #tpu.memory_space<hbm>> -> memref<32x1024xf32, #tpu.memory_space<hbm>>
    tpu.wait_dma2 semaphore(%arg13 : memref<!tpu.dma_semaphore, #tpu.memory_space<semaphore_mem>>) src(%arg7 : memref<32x1024xf32, #tpu.memory_space<vmem>>) dst(%dma_wait3A_92 : memref<32x1024xf32, #tpu.memory_space<hbm>>)
    return
  }
}

module attributes {stable_mosaic.version = 14 : i64} {
  func.func @_build_body(%arg0: i32, %arg1: memref<256x1024xf32, #tpu.memory_space<vmem>>, %arg2: memref<32x1024xf32, #tpu.memory_space<vmem>>, %arg3: memref<8x256x1024xf32, #tpu.memory_space<vmem>>) attributes {dimension_semantics = [#tpu.dimension_semantics<arbitrary>], iteration_bounds = array<i64: 4>, scalar_prefetch = 0 : i64, scratch_operands = 0 : i64, tpu.core_type = #tpu.core_type<tc>, window_params = [{pipeline_mode = #tpu.pipeline_mode<synchronous>, transform_indices = @transform_0, window_bounds = array<i64: 256, 1024>}, {pipeline_mode = #tpu.pipeline_mode<synchronous>, transform_indices = @transform_1, window_bounds = array<i64: 32, 1024>}, {transform_indices = @transform_2, window_bounds = array<i64: 8, 256, 1024>}]} {
    %mul3A = arith.constant 8 : i32
    %mul3A_0 = arith.muli %arg0, %mul3A : i32
    %get3A = arith.index_cast %mul3A_0 : i32 to index
    %get3A_1 = arith.constant 0 : index
    %get3A_2 = vector.load %arg2[%get3A, %get3A_1] : memref<32x1024xf32, #tpu.memory_space<vmem>>, vector<8x1024xf32>
    %get3A_3 = arith.constant 0 : index
    %get3A_4 = arith.constant 0 : index
    %get3A_5 = vector.load %arg1[%get3A_3, %get3A_4] : memref<256x1024xf32, #tpu.memory_space<vmem>>, vector<256x1024xf32>
    %broadcast_in_dim3A = vector.shape_cast %get3A_5 : vector<256x1024xf32> to vector<1x256x1024xf32>
    %broadcast_in_dim3A_6 = vector.shape_cast %get3A_2 : vector<8x1024xf32> to vector<8x1x1024xf32>
    %add3A = vector.broadcast %broadcast_in_dim3A : vector<1x256x1024xf32> to vector<8x256x1024xf32>
    %add3A_7 = vector.broadcast %broadcast_in_dim3A_6 : vector<8x1x1024xf32> to vector<8x256x1024xf32>
    %add3A_8 = arith.addf %add3A, %add3A_7 : vector<8x256x1024xf32>
    %swap3A = arith.constant 0 : index
    %swap3A_9 = arith.constant 0 : index
    %swap3A_10 = arith.constant 0 : index
    %swap3A_11 = vector.load %arg3[%swap3A, %swap3A_9, %swap3A_10] : memref<8x256x1024xf32, #tpu.memory_space<vmem>>, vector<8x256x1024xf32>
    tpu.vector_store %arg3[%swap3A, %swap3A_9, %swap3A_10], %add3A_8 {strides = array<i32>} : memref<8x256x1024xf32, #tpu.memory_space<vmem>>, vector<8x256x1024xf32>,
    return
  }
  func.func @transform_0(%arg0: i32) -> (i32, i32) {
    %c0_i32 = arith.constant 0 : i32
    %c0_i32_0 = arith.constant 0 : i32
    %c0_i32_1 = arith.constant 0 : i32
    return %c0_i32, %c0_i32_0 : i32, i32
  }
  func.func @transform_1(%arg0: i32) -> (i32, i32) {
    %c0_i32 = arith.constant 0 : i32
    %c0_i32_0 = arith.constant 0 : i32
    %c0_i32_1 = arith.constant 0 : i32
    return %c0_i32, %c0_i32_0 : i32, i32
  }
  func.func @transform_2(%arg0: i32) -> (i32, i32, i32) {
    %c0_i32 = arith.constant 0 : i32
    %c0_i32_0 = arith.constant 0 : i32
    %c0_i32_1 = arith.constant 0 : i32
    return %arg0, %c0_i32, %c0_i32_0 : i32, i32, i32
  }
}

</mosaic_0001>

<sc_bundles>
// kernel: kernel.4.cloned.1.call-start
scs
__scs_entry_jumppad:
0x0: {  	(pc) =	sbr.rel $0x88, $3  }
0x1: {  	(tag) =	ssettag $0x0;
	lr =	simm.s32 $0x1  }
0x2: {  	[smem:$0x3F9E] =	sst lr;
	_ =	strace $0xD0000000  }
0x3: {  	_ = 	snop  }
0x4: {  	_ = 	snop  }
0x5: {  	_ = 	snop  }
0x6: {  	_ = 	snop  }
0x7: {  	_ = 	snop  }
__scs_overlays_trampoline_lowered:
0x8: {  	[smem:$0x3FAD] =	sst s0  }
0x9: {  	[smem:$0x3FAE] =	sst s1  }
0xa: {  	[smem:$0x3FAF] =	sst s2  }
0xb: {  	[smem:$0x3FB0] =	sst s3  }
0xc: {  	[smem:$0x3FB1] =	sst s4  }
0xd: {  	[smem:$0x3FB2] =	sst s5  }
0xe: {  	[smem:$0x3FB3] =	sst s6  }
0xf: {  	[smem:$0x3FB4] =	sst s7  }
0x10: {  	[smem:$0x3FB5] =	sst s8  }
0x11: {  	[smem:$0x3FB6] =	sst s9;
	s0 =	simm.s32 @!p0 $0x0  }
0x12: {  	s1 =	sld [smem:$0x3F9C];
	s0 =	simm.s32 @p0 $0x1  }
0x13: {  	[smem:$0x3FB7] =	sst s0;
	s0 =	simm.s32 @!p1 $0x0  }
0x14: {  	s2 =	sld [smem:$0x3F9B];
	s0 =	simm.s32 @p1 $0x1  }
0x15: {  	[smem:$0x3FB8] =	sst s0;
	s0 =	simm.s32 @!p2 $0x0  }
0x16: {  	s3 =	sld [smem:$0x3FDB];
	s0 =	simm.s32 @p2 $0x1  }
0x17: {  	s4 =	simm.s32 $0x1BF5;
	[smem:$0x3FBA] =	sst s0  }
0x18: {  	s0 =	sld [smem:$0x3F9D];
	_ =	swait.ge [sflag:s4], $0x0  }
0x19: {  	s7 =	sld [smem:$0x3F9E]  }
0x1a: {  	s8 =	sadd.s32 $0xFFFFE003, lr  }
0x1b: {  	s9 =	sadd.s32 $0xFFFFFEF7, lr;
	s5 =	simm.s32 $0xFFFFFFFF;
	p2 =	slt.u32 s8, $0xFFFFF086  }
0x1c: {  	p1 =	slt.u32 s9, $0xF7A;
	s5 =	simm.s32 @!p2 $0x0  }
0x1d: {  	s5 =	simm.s32 @p1 $0x1;
	p0 =	seq.s32 s7, s2  }
0x1e: {  	s7 =	smul.u32 @!p0 $0xF7A, s2;
	p2 =	seq.s32 @!p0 s5, $0x0  }
0x1f: {  	s9 =	smul.u32 $0xF7A, s1;
	s8 =	simm.s32 @!p0 $0x1BF5;
	p2 =	por !p2, p0  }
0x20: {  	[sflag:s8] =	ssyncset.s32 @!p0 $0xFFFFF086;
	s6 =	sadd.s32 @!p0 s3, s7;
	s7 =	simm.s32 @!p0 $0x108  }
0x21: {  	s3 =	sadd.s32 s3, s9;
	s6 =	sadd.s32 @!p0 $0x88, s6;
	s7 =	simm.s32 @p2 $0x1082  }
0x22: {  	[simem:s7], [sflag:s8] =	dma.local @!p0 [hbm:s6], $0xF7A  }
0x23: {  	s9 =	sor.u32 $0xD0000000, s2;
	s6 =	simm.s32 $0x108;
	_ =	swait.ge @!p0 [sflag:s8], $0x0  }
0x24: {  	s3 =	sadd.s32 $0x88, s3;
	s6 =	simm.s32 @!p1 $0x1082;
	[sflag:s4] =	ssyncset.s32 $0xFFFFF086  }
0x25: {  	[simem:s6], [sflag:s4] =	dma.local [hbm:s3], $0xF7A  }
0x26: {  	[smem:$0x3F9E] =	sst s1;
	(tag) =	ssettag s2;
	_ =	strace s9  }
0x27: {  	s1 =	sld [smem:$0x3FAE]  }
0x28: {  	s2 =	sld [smem:$0x3FAF]  }
0x29: {  	s4 =	sld [smem:$0x3FB1]  }
0x2a: {  	p0 =	seq.s32 s5, $0x0;
	s5 =	sld [smem:$0x3FB2]  }
0x2b: {  	s6 =	sld [smem:$0x3FB3]  }
0x2c: {  	s7 =	sld [smem:$0x3FB4]  }
0x2d: {  	s3 =	simm.s32 $0x108;
	s8 =	sld [smem:$0x3FB5]  }
0x2e: {  	s3 =	simm.s32 @!p0 $0x1082;
	s9 =	sld [smem:$0x3FB6]  }
0x2f: {  	lr =	sadd.s32 s0, s3;
	s0 =	sld [smem:$0x3FAD]  }
0x30: {  	s3 =	sld [smem:$0x3FB0]  }
0x31: {  	[smem:$0x3FB9] =	sst s10  }
0x32: {  	s10 =	sld [smem:$0x3FB7];
	_ =	sdelay $0x3  }
0x33: {  	p0 =	seq.s32 s10, $0x1;
	s10 =	sld [smem:$0x3FB9];
	_ =	sdelay $0x3  }
0x34: {  	[smem:$0x3FB9] =	sst s10  }
0x35: {  	s10 =	sld [smem:$0x3FB8];
	_ =	sdelay $0x3  }
0x36: {  	p1 =	seq.s32 s10, $0x1;
	s10 =	sld [smem:$0x3FB9];
	_ =	sdelay $0x3  }
0x37: {  	[smem:$0x3FB9] =	sst s10  }
0x38: {  	s10 =	sld [smem:$0x3FBA]  }
0x39: {  	_ = 	snop;
	(pc) =	sbr.ind lr, $3  }
0x3a: {  	_ = 	snop  }
0x3b: {  	_ = 	snop  }
0x3c: {  	p2 =	seq.s32 s10, $0x1;
	s10 =	sld [smem:$0x3FB9]  }
0x3d: {  	_ =	shalt  }
0x3e: {  	_ =	shalt  }
0x3f: {  	_ =	shalt  }
0x40: {  	_ =	shalt  }
0x41: {  	_ =	shalt  }
0x42: {  	_ =	shalt  }
0x43: {  	_ =	shalt  }
0x44: {  	_ =	shalt  }
0x45: {  	_ =	shalt  }
0x46: {  	_ =	shalt  }
0x47: {  	_ =	shalt  }
0x48: {  	_ =	shalt  }
0x49: {  	_ =	shalt  }
0x4a: {  	_ =	shalt  }
0x4b: {  	_ =	shalt  }
0x4c: {  	_ =	shalt  }
0x4d: {  	_ =	shalt  }
0x4e: {  	_ =	shalt  }
0x4f: {  	_ =	shalt  }
0x50: {  	_ =	shalt  }
0x51: {  	_ =	shalt  }
0x52: {  	_ =	shalt  }
0x53: {  	_ =	shalt  }
0x54: {  	_ =	shalt  }
0x55: {  	_ =	shalt  }
0x56: {  	_ =	shalt  }
0x57: {  	_ =	shalt  }
0x58: {  	_ =	shalt  }
0x59: {  	_ =	shalt  }
0x5a: {  	_ =	shalt  }
0x5b: {  	_ =	shalt  }
0x5c: {  	_ =	shalt  }
0x5d: {  	_ =	shalt  }
0x5e: {  	_ =	shalt  }
0x5f: {  	_ =	shalt  }
0x60: {  	_ =	shalt  }
0x61: {  	_ =	shalt  }
0x62: {  	_ =	shalt  }
0x63: {  	_ =	shalt  }
0x64: {  	_ =	shalt  }
0x65: {  	_ =	shalt  }
0x66: {  	_ =	shalt  }
0x67: {  	_ =	shalt  }
0x68: {  	_ =	shalt  }
0x69: {  	_ =	shalt  }
0x6a: {  	_ =	shalt  }
0x6b: {  	_ =	shalt  }
0x6c: {  	_ =	shalt  }
0x6d: {  	_ =	shalt  }
0x6e: {  	_ =	shalt  }
0x6f: {  	_ =	shalt  }
0x70: {  	_ =	shalt  }
0x71: {  	_ =	shalt  }
0x72: {  	_ =	shalt  }
0x73: {  	_ =	shalt  }
0x74: {  	_ =	shalt  }
0x75: {  	_ =	shalt  }
0x76: {  	_ =	shalt  }
0x77: {  	_ =	shalt  }
0x78: {  	_ =	shalt  }
0x79: {  	_ =	shalt  }
0x7a: {  	_ =	shalt  }
0x7b: {  	_ =	shalt  }
0x7c: {  	_ =	shalt  }
0x7d: {  	_ =	shalt  }
0x7e: {  	_ =	shalt  }
0x7f: {  	_ =	shalt  }
0x80: {  	_ =	shalt  }
0x81: {  	_ =	shalt  }
0x82: {  	_ =	shalt  }
0x83: {  	_ =	shalt  }
0x84: {  	_ =	shalt  }
0x85: {  	_ =	shalt  }
0x86: {  	_ =	shalt  }
0x87: {  	_ =	shalt  }
.Lfunc_end0:
.L_simem_size_0:
called_computation_lowered:
.L_overlay_start_0:
0x88: {  	s2 =	sld [smem:$0x3FD9]  }
0x89: {  	s3 =	sld [smem:$0x3FFE];
	_ =	sdelay $0x1  }
0x8a: {  	s1 =	srdreg.scid  }
0x8b: {  	s0 =	sand.u32 $0x1, s1  }
0x8c: {  	s17 =	sshll.u32 s0, $0xA;
	s2 =	sadd.s32 s3, s2  }
0x8d: {  	s2 =	sadd.s32 s2, s17  }
0x8e: {  	[smem:$0x3FC5] =	sst s2  }
0x8f: {  	_ = 	snop  }
0x90: {  	s2 =	sld [smem:$0x3FC9]  }
0x91: {  	s18 =	sld [smem:$0x3FD0];
	(tm) =	ssettm $0x1  }
0x92: {  	s4 =	sld [smem:$0x3FFB];
	_ =	sdelay $0x3  }
0x93: {  	_ =	strace s4  }
0x94: {  	s4 =	sld [smem:$0x3FFC];
	_ =	sdelay $0x3  }
0x95: {  	_ =	strace s4  }
0x96: {  	s4 =	sld [smem:$0x3FFD];
	_ =	sdelay $0x3  }
0x97: {  	_ =	strace s4  }
0x98: {  	_ =	strace $0x8FFFFFFF  }
0x99: {  	s19 =	sld [smem:$0x3FDB];
	_ =	sdelay $0x1  }
0x9a: {  	s5 =	simm.s32 $_scs_section_size  }
0x9b: {  	s6 =	simm.s32 $_size__tile_overlayer_lowered;
	s7 =	simm.s32 $_tile_overlayer_lowered  }
0x9c: {  	s22 =	simm.s32 $0x1BFF;
	s21 =	sshll.u32 s7, $0x1;
	s4 =	sadd.s32 s5, s19  }
0x9d: {  	s8 =	simm.s32 $0x0;
	s20 =	sshll.u32 s6, $0x1;
	s6 =	sadd.s32 s21, s4  }
0x9e: {  	[timem:s8], [sflag:s22] =	dma.local [hbm:s6], s20  }
0x9f: {  	_ =	swait.ge [sflag:s22], s20  }
0xa0: {  	s5 =	ssub.s32 $0x0, s20;
	[sflag:s22] =	ssyncset.done $0x0  }
0xa1: {  	[sflag:s22] =	ssyncadd.s32 s5;
	_ =	sdelay $0x1  }
0xa2: {  	s23 =	simm.s32 $0x1B8B  }
0xa3: {  	_ =	swait.ge [sflag:s23], $0x1  }
0xa4: {  	[sflag:s23] =	ssyncset.done $0x0  }
0xa5: {  	s25 =	simm.s32 $0x1B8E;
	s24 =	sld [smem:$0x3FFE];
	[sflag:s23] =	ssyncadd.s32 $0xFFFFFFFF  }
0xa6: {  	s26 =	simm.s32 $execute0_lowered;
	[smem:$0x3FD2] =	sst s25  }
0xa7: {  	s6 =	sshll.u32 s26, $0x1;
	_ =	strace $0x80000046;
	[dreg:$0x1] =	wrdreg $0xFFFFFFFF  }
0xa8: {  	s28 =	simm.s32 $_size_execute0_lowered;
	s4 =	sadd.s32 s4, s6;
	[dreg:$0x0] =	wrdreg $0x0  }
0xa9: {  	s6 =	sshll.u32 s28, $0x1;
	[dreg:$0x2] =	wrdreg s4  }
0xaa: {  	[dreg:$0x3] =	wrdreg s6  }
0xab: {  	[dreg:$0x4] =	wrdreg $0xC0  }
0xac: {  	_ =	task [dreg:s8], $0x5FFFF  }
0xad: {  	[dreg:$0x1] =	wrdreg $0xFFFFFFFF  }
0xae: {  	[dreg:$0x0] =	wrdreg $0x60  }
0xaf: {  	[dreg:$0x2] =	wrdreg s24  }
0xb0: {  	[dreg:$0x3] =	wrdreg s2  }
0xb1: {  	[dreg:$0x4] =	wrdreg s18  }
0xb2: {  	[dreg:$0x5] =	wrdreg $0x9  }
0xb3: {  	_ =	task.clear_ibuf [dreg:s8], $0x6FFFF;
	_ =	strace $0x90000046  }
0xb4: {  	s29 =	simm.s32 $0x9;
	_ =	strace $0x80000048  }
0xb5: {  	_ =	swait.ge [sflag:s29], $0x1  }
0xb6: {  	[sflag:s29] =	ssyncadd.s32 $0xFFFFFFFF  }
0xb7: {  	_ =	strace $0x90000048  }
0xb8: {  	_ =	sfence  }
0xb9: {  	s30 =	sld [smem:$0x0];
	_ =	sdelay $0x2  }
0xba: {  	s31 =	sshll.u32 s1, $0xD;
	s1 =	sshrl.u32 s1, $0x2  }
0xbb: {  	s3 =	sand.u32 $0x4000, s31;
	s1 =	sadd.s32 s1, s30  }
0xbc: {  	s0 =	sor.u32 s3, s0;
	s1 =	sshll.u32 s1, $0x11  }
0xbd: {  	s0 =	sor.u32 s1, s0  }
0xbe: {  	s0 =	sadd.s32 $0x8F2B, s0  }
0xbf: {  	[sflag:s0] =	ssyncadd.remote.s32 $0x1  }
0xc0: {  	_ =	sfence.sel $0xFFFF  }
0xc1: {  	[dreg:$0x0] =	wrdreg $0xFFFFFFFF;
	(pc) =	sbr.abs _section_cstart, $3  }
0xc2: {  	[dreg:$0x1] =	wrdreg $0xFFFFFFFF  }
0xc3: {  	_ =	task.clear_ibuf [dreg:s8], $0x2FFFF;
	_ =	strace $0x9FFFFFFF  }
0xc4: {  	(tm) =	ssettm $0x7FFFFFFF  }
0xc5: {  	_ =	shalt  }
tec
execute0_lowered:
.L_overlay_start_1:
0x0: {  	(tag) =	ssettag $0x1  }
0x1: {  	s0 =	srdreg.scid;
	s5 =	rddreg [dreg:$0x0]  }
0x2: {  	s13 =	stileid.u32;
	s6 =	rddreg [dreg:$0x1]  }
0x3: {  	s9 =	rddreg [dreg:$0x2];
	s4 =	simm.s32 $0x1;
	s2 =	simm.s32 $0x0  }
0x4: {  	s17 =	simm.s32 $0x400;
	s14 =	simm.s32 $0x8400;
	s28 =	simm.s32 $0x10400  }
0x5: {  	s16 =	simm.s32 $0x15C00;
	s18 =	simm.s32 $0x16400;
	s29 =	simm.s32 $0x16C00  }
0x6: {  	s19 =	simm.s32 $0x17400;
	s30 =	simm.s32 $0x17C00;
	s20 =	simm.s32 $0x2  }
0x7: {  	s31 =	simm.s32 $0x4;
	s21 =	simm.s32 $0x3;
	s22 =	simm.s32 $0x6  }
0x8: {  	s15 =	simm.s32 $0x0;
	s0 =	sand.u32 $0x1, s0;
	s3 =	sand.u32 $0x7, s13  }
0x9: {  	[smem:$0x7FF] =	sst s2;
	s12 =	sshll.u32 s13, $0x14;
	s26 =	sshll.u32 s13, $0x11  }
0xa: {  	s1 =	sshll.u32 s0, $0x4;
	p1 =	sne.s32 s3, $0x0;
	_ =	strace $0x80000047  }
0xb: {  	s3 =	sshll.u32 s3, $0xC;
	s8 =	ssub.s32 $0x2, s0;
	s11 =	sshll.u32 s0, $0x18  }
0xc: {  	s0 =	sshll.u32 s0, $0x15;
	s1 =	sor.u32 s13, s1;
	s10 =	sshrl.u32 s8, $0x1  }
0xd: {  	s25 =	sor.u32 s12, s11;
	s0 =	sadd.s32 s0, s9;
	s11 =	simm.s32 $0x14C00  }
0xe: {  	p0 =	seq.s32 s1, $0x0;
	s7 =	sshrl.u32 s1, $0x3;
	s10 =	ssub.s32 s8, s10  }
0xf: {  	s1 =	sshll.u32 s1, $0x11;
	s8 =	sadd.s32 $0xB00, s5;
	p0 =	por !p1, !p0  }
0x10: {  	s13 =	sadd.s32 s26, s0;
	s26 =	simm.s32 $0xFC00;
	p0 =	por !p0, !p0  }
0x11: {  	s24 =	sadd.s32 s9, s1;
	s1 =	sor.u32 $0x8000, s25;
	s4 =	simm.s32 @!p0 $0x0  }
0x12: {  	s10 =	smax.u32 s10, $0x1;
	s25 =	simm.s32 $0xF400;
	s4 =	ssub.s32 s7, s4  }
0x13: {  	[dreg:$0x5] =	wrdreg s24;
	s1 =	sshrl.u32 s1, $0x3;
	s7 =	sshll.u32 s4, $0xD  }
0x14: {  	[dreg:$0x7] =	wrdreg s10;
	s4 =	sshll.u32 s4, $0x7;
	s7 =	sand.u32 $0xFFFF8000, s7  }
0x15: {  	s10 =	simm.s32 $0x14400;
	s4 =	sand.u32 $0x180, s4;
	s7 =	sor.u32 s3, s7  }
.Ltmp0:
0x16: {  	s12 =	sadd.s32 s1, s9;
	s4 =	sor.u32 s4, s7;
	(pc) =	sbr.rel .LBB2_1-.Ltmp0, $4  }
0x17: {  	s9 =	simm.s32 $0x15400;
	s1 =	simm.s32 $0x5;
	s7 =	sshrl.u32 s4, $0x3  }
0x18: {  	v2 =	vlaneseq.u32;
	s3 =	sadd.s32 $0x800, s5;
	s6 =	sadd.s32 s6, s7;
	s7 =	sadd.s32 $0xA00, s5  }
0x19: {  	vm0 =	vmmov $0xffff;
	v1 =	vshrl.u32 v2, $0x3;
	[dreg:$0x4] =	wrdreg s6;
	s6 =	sadd.s32 $0x900, s5;
	s5 =	sadd.s32 $0x1F000, s24  }
0x1a: {  	v0 =	vand.u32 $0x7, v2;
	v2 =	vor.u32 $0x8, v2;
	v1 =	vmul.u32 $0x8, v1;
	s4 =	simm.s32 $0x1;
	[dreg:$0x6] =	wrdreg s5;
	s5 =	simm.s32 $0x13C00  }
.LBB2_4:
0x1b: {  	_ =	swait.ge [sflag:s20], $0x8000  }
0x1c: {  	[sflag:s20] =	ssyncset.done $0x0  }
0x1d: {  	s0 =	rddreg [dreg:$0x6];
	[sflag:s20] =	ssyncadd.s32 $0xFFFF8000  }
0x1e: {  	[hbm4b:s0+s2] =	stream.linear.scatter [tilespmem:s14], [sflag:$0x5], $0x8000, $0x38;
	[tilespmem:$0x18400] =	vst v63  }
0x1f: {  	_ =	swait.ge [sflag:s22], $0x8000  }
0x20: {  	[sflag:s22] =	ssyncset.done $0x0  }
0x21: {  	[sflag:s22] =	ssyncadd.s32 $0xFFFF8000  }
0x22: {  	_ =	swait.ge [sflag:s31], $0x8000  }
0x23: {  	[sflag:s31] =	ssyncset.done $0x0  }
0x24: {  	[sflag:s31] =	ssyncadd.s32 $0xFFFF8000  }
0x25: {  	_ =	swait.ge [sflag:s1], $0x8000  }
0x26: {  	s15 =	rddreg [dreg:$0x8]  }
0x27: {  	s24 =	rddreg [dreg:$0x7];
	s15 =	sadd.s32 $0x1, s15  }
0x28: {  	p0 =	sne.s32 s15, s24  }
.Ltmp1:
0x29: {  	_ = 	snop;
	(pc) =	sbr.rel @!p0 .LBB2_5-.Ltmp1, $3  }
0x2a: {  	_ =	sdelay $0x1  }
0x2b: {  	[sflag:s1] =	ssyncset.done $0x0  }
0x2c: {  	[sflag:s1] =	ssyncadd.s32 $0xFFFF8000  }
.LBB2_1:
0x2d: {  	[dreg:$0x8] =	wrdreg s15  }
0x2e: {  	s0 =	rddreg [dreg:$0x4]  }
0x2f: {  	s24 =	simm.s32 $0x80;
	s23 =	simm.s32 $0x200;
	s15 =	simm.s32 $0x7  }
0x30: {  	[tilespmem:s2], [sflag:$0x7] =	stream.strided.gather [hbm4b:s0+s24], $0x400, s23, s24, $0x38;
	[tilespmem:$0x18400] =	vst v63  }
0x31: {  	_ =	swait.ge [sflag:s15], $0x400  }
0x32: {  	[sflag:s15] =	ssyncset.done $0x0  }
0x33: {  	[sflag:s15] =	ssyncadd.s32 $0xFFFFFC00  }
0x34: {  	v3 =	vld [tilespmem:$0x0];
	_ =	sdelay $0x4  }
0x35: {  	v4 =	vshll.u32 v3, $0x3  }
0x36: {  	v3 =	vand.u32 $0x7, v3;
	v4 =	vand.u32 $0xFFFFFFC0, v4  }
0x37: {  	v3 =	vor.u32 v3, v4  }
0x38: {  	v4 =	vperm.xlane v3, v0;
	_ =	sdelay $0x1  }
0x39: {  	v4 =	vadd.s32 v1, v4;
	_ =	sdelay $0x4  }
0x3a: {  	[tilespmem:s17], [sflag:$0x1] =	stream.indirect_vreg.gather [hbm4b:s3+s2], $0x80, v4, vm0, $0xb8;
	[tilespmem:$0x18400] =	vst v63  }
0x3b: {  	s23 =	simm.s32 $0xC00;
	v3 =	vperm.xlane v3, v2  }
0x3c: {  	[tilespmem:s23], [sflag:$0x1] =	stream.indirect_vreg.gather [hbm4b:s6+s2], $0x80, v4, vm0, $0xb8;
	[tilespmem:$0x18400] =	vst v63  }
0x3d: {  	s24 =	simm.s32 $0x1400;
	v3 =	vadd.s32 v1, v3  }
0x3e: {  	[tilespmem:s24], [sflag:$0x1] =	stream.indirect_vreg.gather [hbm4b:s7+s2], $0x80, v4, vm0, $0xb8;
	[tilespmem:$0x18400] =	vst v63  }
0x3f: {  	s15 =	simm.s32 $0x1C00  }
0x40: {  	[tilespmem:s15], [sflag:$0x1] =	stream.indirect_vreg.gather [hbm4b:s8+s2], $0x80, v4, vm0, $0xb8;
	[tilespmem:$0x18400] =	vst v63  }
0x41: {  	s23 =	simm.s32 $0x2400  }
0x42: {  	[tilespmem:s23], [sflag:$0x1] =	stream.indirect_vreg.gather [hbm4b:s3+s2], $0x80, v3, vm0, $0xb8;
	[tilespmem:$0x18400] =	vst v63  }
0x43: {  	s24 =	simm.s32 $0x2C00  }
0x44: {  	[tilespmem:s24], [sflag:$0x1] =	stream.indirect_vreg.gather [hbm4b:s6+s2], $0x80, v3, vm0, $0xb8;
	[tilespmem:$0x18400] =	vst v63  }
0x45: {  	s15 =	simm.s32 $0x3400  }
0x46: {  	[tilespmem:s15], [sflag:$0x1] =	stream.indirect_vreg.gather [hbm4b:s7+s2], $0x80, v3, vm0, $0xb8;
	[tilespmem:$0x18400] =	vst v63  }
0x47: {  	s23 =	simm.s32 $0x3C00  }
0x48: {  	[tilespmem:s23], [sflag:$0x1] =	stream.indirect_vreg.gather [hbm4b:s8+s2], $0x80, v3, vm0, $0xb8;
	[tilespmem:$0x18400] =	vst v63  }
0x49: {  	v3 =	vld [tilespmem:$0x10];
	_ =	sdelay $0x4  }
0x4a: {  	v59 =	vshll.u32 v3, $0x3  }
0x4b: {  	v3 =	vand.u32 $0x7, v3;
	v4 =	vand.u32 $0xFFFFFFC0, v59  }
0x4c: {  	v3 =	vor.u32 v3, v4  }
0x4d: {  	v4 =	vperm.xlane v3, v0;
	_ =	sdelay $0x1  }
0x4e: {  	v4 =	vadd.s32 v1, v4;
	_ =	sdelay $0x3  }
0x4f: {  	s24 =	simm.s32 $0x4400  }
0x50: {  	[tilespmem:s24], [sflag:$0x1] =	stream.indirect_vreg.gather [hbm4b:s3+s2], $0x80, v4, vm0, $0xb8;
	[tilespmem:$0x18400] =	vst v63  }
0x51: {  	s15 =	simm.s32 $0x4C00;
	v3 =	vperm.xlane v3, v2  }
0x52: {  	[tilespmem:s15], [sflag:$0x1] =	stream.indirect_vreg.gather [hbm4b:s6+s2], $0x80, v4, vm0, $0xb8;
	[tilespmem:$0x18400] =	vst v63  }
0x53: {  	s23 =	simm.s32 $0x5400;
	v3 =	vadd.s32 v1, v3  }
0x54: {  	[tilespmem:s23], [sflag:$0x1] =	stream.indirect_vreg.gather [hbm4b:s7+s2], $0x80, v4, vm0, $0xb8;
	[tilespmem:$0x18400] =	vst v63  }
0x55: {  	s24 =	simm.s32 $0x5C00  }
0x56: {  	[tilespmem:s24], [sflag:$0x1] =	stream.indirect_vreg.gather [hbm4b:s8+s2], $0x80, v4, vm0, $0xb8;
	[tilespmem:$0x18400] =	vst v63  }
0x57: {  	s15 =	simm.s32 $0x6400  }
0x58: {  	[tilespmem:s15], [sflag:$0x1] =	stream.indirect_vreg.gather [hbm4b:s3+s2], $0x80, v3, vm0, $0xb8;
	[tilespmem:$0x18400] =	vst v63  }
0x59: {  	s23 =	simm.s32 $0x6C00  }
0x5a: {  	[tilespmem:s23], [sflag:$0x1] =	stream.indirect_vreg.gather [hbm4b:s6+s2], $0x80, v3, vm0, $0xb8;
	[tilespmem:$0x18400] =	vst v63  }
0x5b: {  	s24 =	simm.s32 $0x7400  }
0x5c: {  	[tilespmem:s24], [sflag:$0x1] =	stream.indirect_vreg.gather [hbm4b:s7+s2], $0x80, v3, vm0, $0xb8;
	[tilespmem:$0x18400] =	vst v63  }
0x5d: {  	s15 =	simm.s32 $0x7C00  }
0x5e: {  	[tilespmem:s15], [sflag:$0x1] =	stream.indirect_vreg.gather [hbm4b:s8+s2], $0x80, v3, vm0, $0xb8;
	[tilespmem:$0x18400] =	vst v63  }
0x5f: {  	v3 =	vld [tilespmem:$0x20];
	_ =	sdelay $0x4  }
0x60: {  	v60 =	vshll.u32 v3, $0x3  }
0x61: {  	v3 =	vand.u32 $0x7, v3;
	v4 =	vand.u32 $0xFFFFFFC0, v60  }
0x62: {  	v3 =	vor.u32 v3, v4  }
0x63: {  	v4 =	vperm.xlane v3, v0;
	_ =	sdelay $0x1  }
0x64: {  	v4 =	vadd.s32 v1, v4;
	_ =	sdelay $0x4  }
0x65: {  	[tilespmem:s14], [sflag:$0x2] =	stream.indirect_vreg.gather [hbm4b:s3+s2], $0x80, v4, vm0, $0xb8;
	[tilespmem:$0x18400] =	vst v63  }
0x66: {  	s23 =	simm.s32 $0x8C00;
	v3 =	vperm.xlane v3, v2  }
0x67: {  	[tilespmem:s23], [sflag:$0x2] =	stream.indirect_vreg.gather [hbm4b:s6+s2], $0x80, v4, vm0, $0xb8;
	[tilespmem:$0x18400] =	vst v63  }
0x68: {  	s24 =	simm.s32 $0x9400;
	v3 =	vadd.s32 v1, v3  }
0x69: {  	[tilespmem:s24], [sflag:$0x2] =	stream.indirect_vreg.gather [hbm4b:s7+s2], $0x80, v4, vm0, $0xb8;
	[tilespmem:$0x18400] =	vst v63  }
0x6a: {  	s15 =	simm.s32 $0x9C00  }
0x6b: {  	[tilespmem:s15], [sflag:$0x2] =	stream.indirect_vreg.gather [hbm4b:s8+s2], $0x80, v4, vm0, $0xb8;
	[tilespmem:$0x18400] =	vst v63  }
0x6c: {  	s23 =	simm.s32 $0xA400  }
0x6d: {  	[tilespmem:s23], [sflag:$0x2] =	stream.indirect_vreg.gather [hbm4b:s3+s2], $0x80, v3, vm0, $0xb8;
	[tilespmem:$0x18400] =	vst v63  }
0x6e: {  	s24 =	simm.s32 $0xAC00  }
0x6f: {  	[tilespmem:s24], [sflag:$0x2] =	stream.indirect_vreg.gather [hbm4b:s6+s2], $0x80, v3, vm0, $0xb8;
	[tilespmem:$0x18400] =	vst v63  }
0x70: {  	s15 =	simm.s32 $0xB400  }
0x71: {  	[tilespmem:s15], [sflag:$0x2] =	stream.indirect_vreg.gather [hbm4b:s7+s2], $0x80, v3, vm0, $0xb8;
	[tilespmem:$0x18400] =	vst v63  }
0x72: {  	s23 =	simm.s32 $0xBC00  }
0x73: {  	[tilespmem:s23], [sflag:$0x2] =	stream.indirect_vreg.gather [hbm4b:s8+s2], $0x80, v3, vm0, $0xb8;
	[tilespmem:$0x18400] =	vst v63  }
0x74: {  	v3 =	vld [tilespmem:$0x30];
	_ =	sdelay $0x4  }
0x75: {  	v61 =	vshll.u32 v3, $0x3  }
0x76: {  	v3 =	vand.u32 $0x7, v3;
	v4 =	vand.u32 $0xFFFFFFC0, v61  }
0x77: {  	v3 =	vor.u32 v3, v4  }
0x78: {  	v4 =	vperm.xlane v3, v0;
	_ =	sdelay $0x1  }
0x79: {  	v4 =	vadd.s32 v1, v4;
	_ =	sdelay $0x3  }
0x7a: {  	s24 =	simm.s32 $0xC400  }
0x7b: {  	[tilespmem:s24], [sflag:$0x2] =	stream.indirect_vreg.gather [hbm4b:s3+s2], $0x80, v4, vm0, $0xb8;
	[tilespmem:$0x18400] =	vst v63  }
0x7c: {  	s15 =	simm.s32 $0xCC00;
	v3 =	vperm.xlane v3, v2  }
0x7d: {  	[tilespmem:s15], [sflag:$0x2] =	stream.indirect_vreg.gather [hbm4b:s6+s2], $0x80, v4, vm0, $0xb8;
	[tilespmem:$0x18400] =	vst v63  }
0x7e: {  	s23 =	simm.s32 $0xD400;
	v3 =	vadd.s32 v1, v3  }
0x7f: {  	[tilespmem:s23], [sflag:$0x2] =	stream.indirect_vreg.gather [hbm4b:s7+s2], $0x80, v4, vm0, $0xb8;
	[tilespmem:$0x18400] =	vst v63  }
0x80: {  	s24 =	simm.s32 $0xDC00  }
0x81: {  	[tilespmem:s24], [sflag:$0x2] =	stream.indirect_vreg.gather [hbm4b:s8+s2], $0x80, v4, vm0, $0xb8;
	[tilespmem:$0x18400] =	vst v63  }
0x82: {  	s15 =	simm.s32 $0xE400  }
0x83: {  	[tilespmem:s15], [sflag:$0x2] =	stream.indirect_vreg.gather [hbm4b:s3+s2], $0x80, v3, vm0, $0xb8;
	[tilespmem:$0x18400] =	vst v63  }
0x84: {  	s23 =	simm.s32 $0xEC00  }
0x85: {  	[tilespmem:s23], [sflag:$0x2] =	stream.indirect_vreg.gather [hbm4b:s6+s2], $0x80, v3, vm0, $0xb8;
	[tilespmem:$0x18400] =	vst v63  }
0x86: {  	_ = 	snop  }
0x87: {  	[tilespmem:s25], [sflag:$0x2] =	stream.indirect_vreg.gather [hbm4b:s7+s2], $0x80, v3, vm0, $0xb8;
	[tilespmem:$0x18400] =	vst v63  }
0x88: {  	_ = 	snop  }
0x89: {  	[tilespmem:s26], [sflag:$0x2] =	stream.indirect_vreg.gather [hbm4b:s8+s2], $0x80, v3, vm0, $0xb8;
	[tilespmem:$0x18400] =	vst v63  }
0x8a: {  	_ =	swait.ge [sflag:s4], $0x8000  }
0x8b: {  	[sflag:s4] =	ssyncset.done $0x0  }
0x8c: {  	s24 =	rddreg [dreg:$0x5];
	[sflag:s4] =	ssyncadd.s32 $0xFFFF8000  }
0x8d: {  	[hbm4b:s24+s2] =	stream.linear.scatter [tilespmem:s17], [sflag:$0x4], $0x8000, $0x38;
	[tilespmem:$0x18400] =	vst v63  }
0x8e: {  	v3 =	vld [tilespmem:$0x40];
	_ =	sdelay $0x4  }
0x8f: {  	v62 =	vshll.u32 v3, $0x3  }
0x90: {  	v3 =	vand.u32 $0x7, v3;
	v4 =	vand.u32 $0xFFFFFFC0, v62  }
0x91: {  	v3 =	vor.u32 v3, v4  }
0x92: {  	v4 =	vperm.xlane v3, v0;
	_ =	sdelay $0x1  }
0x93: {  	v4 =	vadd.s32 v1, v4;
	_ =	sdelay $0x4  }
0x94: {  	[tilespmem:s28], [sflag:$0x3] =	stream.indirect_vreg.gather [hbm4b:s3+s2], $0x80, v4, vm0, $0xb8;
	[tilespmem:$0x18400] =	vst v63  }
0x95: {  	s15 =	simm.s32 $0x10C00;
	v3 =	vperm.xlane v3, v2  }
0x96: {  	[tilespmem:s15], [sflag:$0x3] =	stream.indirect_vreg.gather [hbm4b:s6+s2], $0x80, v4, vm0, $0xb8;
	[tilespmem:$0x18400] =	vst v63  }
0x97: {  	s23 =	simm.s32 $0x11400;
	v3 =	vadd.s32 v1, v3  }
0x98: {  	[tilespmem:s23], [sflag:$0x3] =	stream.indirect_vreg.gather [hbm4b:s7+s2], $0x80, v4, vm0, $0xb8;
	[tilespmem:$0x18400] =	vst v63  }
0x99: {  	s24 =	simm.s32 $0x11C00  }
0x9a: {  	[tilespmem:s24], [sflag:$0x3] =	stream.indirect_vreg.gather [hbm4b:s8+s2], $0x80, v4, vm0, $0xb8;
	[tilespmem:$0x18400] =	vst v63  }
0x9b: {  	s15 =	simm.s32 $0x12400  }
0x9c: {  	[tilespmem:s15], [sflag:$0x3] =	stream.indirect_vreg.gather [hbm4b:s3+s2], $0x80, v3, vm0, $0xb8;
	[tilespmem:$0x18400] =	vst v63  }
0x9d: {  	s23 =	simm.s32 $0x12C00  }
0x9e: {  	[tilespmem:s23], [sflag:$0x3] =	stream.indirect_vreg.gather [hbm4b:s6+s2], $0x80, v3, vm0, $0xb8;
	[tilespmem:$0x18400] =	vst v63  }
0x9f: {  	s24 =	simm.s32 $0x13400  }
0xa0: {  	[tilespmem:s24], [sflag:$0x3] =	stream.indirect_vreg.gather [hbm4b:s7+s2], $0x80, v3, vm0, $0xb8;
	[tilespmem:$0x18400] =	vst v63  }
0xa1: {  	_ = 	snop  }
0xa2: {  	[tilespmem:s5], [sflag:$0x3] =	stream.indirect_vreg.gather [hbm4b:s8+s2], $0x80, v3, vm0, $0xb8;
	[tilespmem:$0x18400] =	vst v63  }
0xa3: {  	v3 =	vld [tilespmem:$0x50];
	_ =	sdelay $0x4  }
0xa4: {  	v63 =	vshll.u32 v3, $0x3  }
0xa5: {  	v3 =	vand.u32 $0x7, v3;
	v4 =	vand.u32 $0xFFFFFFC0, v63  }
0xa6: {  	v3 =	vor.u32 v3, v4  }
0xa7: {  	v4 =	vperm.xlane v3, v0;
	_ =	sdelay $0x1  }
0xa8: {  	v4 =	vadd.s32 v1, v4;
	_ =	sdelay $0x4  }
0xa9: {  	[tilespmem:s10], [sflag:$0x3] =	stream.indirect_vreg.gather [hbm4b:s3+s2], $0x80, v4, vm0, $0xb8;
	[tilespmem:$0x18400] =	vst v63  }
0xaa: {  	v3 =	vperm.xlane v3, v2  }
0xab: {  	[tilespmem:s11], [sflag:$0x3] =	stream.indirect_vreg.gather [hbm4b:s6+s2], $0x80, v4, vm0, $0xb8;
	[tilespmem:$0x18400] =	vst v63  }
0xac: {  	v3 =	vadd.s32 v1, v3  }
0xad: {  	[tilespmem:s9], [sflag:$0x3] =	stream.indirect_vreg.gather [hbm4b:s7+s2], $0x80, v4, vm0, $0xb8;
	[tilespmem:$0x18400] =	vst v63  }
0xae: {  	_ = 	snop  }
0xaf: {  	[tilespmem:s16], [sflag:$0x3] =	stream.indirect_vreg.gather [hbm4b:s8+s2], $0x80, v4, vm0, $0xb8;
	[tilespmem:$0x18400] =	vst v63  }
0xb0: {  	_ = 	snop  }
0xb1: {  	[tilespmem:s18], [sflag:$0x3] =	stream.indirect_vreg.gather [hbm4b:s3+s2], $0x80, v3, vm0, $0xb8;
	[tilespmem:$0x18400] =	vst v63  }
0xb2: {  	_ = 	snop  }
0xb3: {  	[tilespmem:s29], [sflag:$0x3] =	stream.indirect_vreg.gather [hbm4b:s6+s2], $0x80, v3, vm0, $0xb8;
	[tilespmem:$0x18400] =	vst v63  }
0xb4: {  	_ = 	snop  }
0xb5: {  	[tilespmem:s19], [sflag:$0x3] =	stream.indirect_vreg.gather [hbm4b:s7+s2], $0x80, v3, vm0, $0xb8;
	[tilespmem:$0x18400] =	vst v63  }
0xb6: {  	s0 =	simm.s32 $0xB0;
	s23 =	simm.s32 $0x0  }
0xb7: {  	[tilespmem:s30], [sflag:$0x3] =	stream.indirect_vreg.gather [hbm4b:s8+s2], $0x80, v3, vm0, $0xb8;
	[tilespmem:$0x18400] =	vst v63  }
.LBB2_2:
0xb8: {  	_ =	swait.ge [sflag:s20], $0x8000  }
0xb9: {  	[sflag:s20] =	ssyncset.done $0x0  }
0xba: {  	s15 =	sadd.s32 s23, s12;
	[sflag:s20] =	ssyncadd.s32 $0xFFFF8000  }
0xbb: {  	[hbm4b:s15+s2] =	stream.linear.scatter [tilespmem:s14], [sflag:$0x5], $0x8000, $0x38;
	[tilespmem:$0x18400] =	vst v63  }
0xbc: {  	_ =	swait.ge [sflag:s31], $0x8000  }
0xbd: {  	[sflag:s31] =	ssyncset.done $0x0  }
0xbe: {  	[sflag:s31] =	ssyncadd.s32 $0xFFFF8000  }
0xbf: {  	v3 =	vld [tilespmem:s0+$0xFFFFFFB0];
	_ =	sdelay $0x4  }
0xc0: {  	v4 =	vshll.u32 v3, $0x3  }
0xc1: {  	v3 =	vand.u32 $0x7, v3;
	v4 =	vand.u32 $0xFFFFFFC0, v4  }
0xc2: {  	v3 =	vor.u32 v3, v4  }
0xc3: {  	v4 =	vperm.xlane v3, v0;
	_ =	sdelay $0x1  }
0xc4: {  	v4 =	vadd.s32 v1, v4;
	_ =	sdelay $0x4  }
0xc5: {  	[tilespmem:s17], [sflag:$0x1] =	stream.indirect_vreg.gather [hbm4b:s3+s2], $0x80, v4, vm0, $0xb8;
	[tilespmem:$0x18400] =	vst v63  }
0xc6: {  	s24 =	simm.s32 $0xC00;
	v3 =	vperm.xlane v3, v2  }
0xc7: {  	[tilespmem:s24], [sflag:$0x1] =	stream.indirect_vreg.gather [hbm4b:s6+s2], $0x80, v4, vm0, $0xb8;
	[tilespmem:$0x18400] =	vst v63  }
0xc8: {  	v3 =	vadd.s32 v1, v3;
	s24 =	simm.s32 $0x1400  }
0xc9: {  	[tilespmem:s24], [sflag:$0x1] =	stream.indirect_vreg.gather [hbm4b:s7+s2], $0x80, v4, vm0, $0xb8;
	[tilespmem:$0x18400] =	vst v63  }
0xca: {  	s24 =	simm.s32 $0x1C00  }
0xcb: {  	[tilespmem:s24], [sflag:$0x1] =	stream.indirect_vreg.gather [hbm4b:s8+s2], $0x80, v4, vm0, $0xb8;
	[tilespmem:$0x18400] =	vst v63  }
0xcc: {  	s24 =	simm.s32 $0x2400  }
0xcd: {  	[tilespmem:s24], [sflag:$0x1] =	stream.indirect_vreg.gather [hbm4b:s3+s2], $0x80, v3, vm0, $0xb8;
	[tilespmem:$0x18400] =	vst v63  }
0xce: {  	s24 =	simm.s32 $0x2C00  }
0xcf: {  	[tilespmem:s24], [sflag:$0x1] =	stream.indirect_vreg.gather [hbm4b:s6+s2], $0x80, v3, vm0, $0xb8;
	[tilespmem:$0x18400] =	vst v63  }
0xd0: {  	s24 =	simm.s32 $0x3400  }
0xd1: {  	[tilespmem:s24], [sflag:$0x1] =	stream.indirect_vreg.gather [hbm4b:s7+s2], $0x80, v3, vm0, $0xb8;
	[tilespmem:$0x18400] =	vst v63  }
0xd2: {  	s24 =	simm.s32 $0x3C00  }
0xd3: {  	[tilespmem:s24], [sflag:$0x1] =	stream.indirect_vreg.gather [hbm4b:s8+s2], $0x80, v3, vm0, $0xb8;
	[tilespmem:$0x18400] =	vst v63  }
0xd4: {  	v3 =	vld [tilespmem:s0+$0xFFFFFFC0];
	_ =	sdelay $0x4  }
0xd5: {  	v61 =	vshll.u32 v3, $0x3  }
0xd6: {  	v3 =	vand.u32 $0x7, v3;
	v4 =	vand.u32 $0xFFFFFFC0, v61  }
0xd7: {  	v3 =	vor.u32 v3, v4  }
0xd8: {  	v4 =	vperm.xlane v3, v0;
	_ =	sdelay $0x1  }
0xd9: {  	v4 =	vadd.s32 v1, v4;
	_ =	sdelay $0x3  }
0xda: {  	s24 =	simm.s32 $0x4400  }
0xdb: {  	[tilespmem:s24], [sflag:$0x1] =	stream.indirect_vreg.gather [hbm4b:s3+s2], $0x80, v4, vm0, $0xb8;
	[tilespmem:$0x18400] =	vst v63  }
0xdc: {  	v3 =	vperm.xlane v3, v2;
	s24 =	simm.s32 $0x4C00  }
0xdd: {  	[tilespmem:s24], [sflag:$0x1] =	stream.indirect_vreg.gather [hbm4b:s6+s2], $0x80, v4, vm0, $0xb8;
	[tilespmem:$0x18400] =	vst v63  }
0xde: {  	v3 =	vadd.s32 v1, v3;
	s24 =	simm.s32 $0x5400  }
0xdf: {  	[tilespmem:s24], [sflag:$0x1] =	stream.indirect_vreg.gather [hbm4b:s7+s2], $0x80, v4, vm0, $0xb8;
	[tilespmem:$0x18400] =	vst v63  }
0xe0: {  	s24 =	simm.s32 $0x5C00  }
0xe1: {  	[tilespmem:s24], [sflag:$0x1] =	stream.indirect_vreg.gather [hbm4b:s8+s2], $0x80, v4, vm0, $0xb8;
	[tilespmem:$0x18400] =	vst v63  }
0xe2: {  	s24 =	simm.s32 $0x6400  }
0xe3: {  	[tilespmem:s24], [sflag:$0x1] =	stream.indirect_vreg.gather [hbm4b:s3+s2], $0x80, v3, vm0, $0xb8;
	[tilespmem:$0x18400] =	vst v63  }
0xe4: {  	s24 =	simm.s32 $0x6C00  }
0xe5: {  	[tilespmem:s24], [sflag:$0x1] =	stream.indirect_vreg.gather [hbm4b:s6+s2], $0x80, v3, vm0, $0xb8;
	[tilespmem:$0x18400] =	vst v63  }
0xe6: {  	s24 =	simm.s32 $0x7400  }
0xe7: {  	[tilespmem:s24], [sflag:$0x1] =	stream.indirect_vreg.gather [hbm4b:s7+s2], $0x80, v3, vm0, $0xb8;
	[tilespmem:$0x18400] =	vst v63  }
0xe8: {  	s24 =	simm.s32 $0x7C00  }
0xe9: {  	[tilespmem:s24], [sflag:$0x1] =	stream.indirect_vreg.gather [hbm4b:s8+s2], $0x80, v3, vm0, $0xb8;
	[tilespmem:$0x18400] =	vst v63  }
0xea: {  	_ =	swait.ge [sflag:s21], $0x8000  }
0xeb: {  	s15 =	sadd.s32 s23, s13;
	[sflag:s21] =	ssyncset.done $0x0  }
0xec: {  	s24 =	sadd.s32 $0x2000, s15;
	[sflag:s21] =	ssyncadd.s32 $0xFFFF8000  }
0xed: {  	[hbm4b:s24+s2] =	stream.linear.scatter [tilespmem:s28], [sflag:$0x6], $0x8000, $0x38;
	[tilespmem:$0x18400] =	vst v63  }
0xee: {  	_ =	swait.ge [sflag:s1], $0x8000  }
0xef: {  	[sflag:s1] =	ssyncset.done $0x0  }
0xf0: {  	[sflag:s1] =	ssyncadd.s32 $0xFFFF8000  }
0xf1: {  	v3 =	vld [tilespmem:s0+$0xFFFFFFD0];
	_ =	sdelay $0x4  }
0xf2: {  	v62 =	vshll.u32 v3, $0x3  }
0xf3: {  	v3 =	vand.u32 $0x7, v3;
	v4 =	vand.u32 $0xFFFFFFC0, v62  }
0xf4: {  	v3 =	vor.u32 v3, v4  }
0xf5: {  	v4 =	vperm.xlane v3, v0;
	_ =	sdelay $0x1  }
0xf6: {  	v4 =	vadd.s32 v1, v4;
	_ =	sdelay $0x4  }
0xf7: {  	[tilespmem:s14], [sflag:$0x2] =	stream.indirect_vreg.gather [hbm4b:s3+s2], $0x80, v4, vm0, $0xb8;
	[tilespmem:$0x18400] =	vst v63  }
0xf8: {  	s24 =	simm.s32 $0x8C00;
	v3 =	vperm.xlane v3, v2  }
0xf9: {  	[tilespmem:s24], [sflag:$0x2] =	stream.indirect_vreg.gather [hbm4b:s6+s2], $0x80, v4, vm0, $0xb8;
	[tilespmem:$0x18400] =	vst v63  }
0xfa: {  	v3 =	vadd.s32 v1, v3;
	s24 =	simm.s32 $0x9400  }
0xfb: {  	[tilespmem:s24], [sflag:$0x2] =	stream.indirect_vreg.gather [hbm4b:s7+s2], $0x80, v4, vm0, $0xb8;
	[tilespmem:$0x18400] =	vst v63  }
0xfc: {  	s24 =	simm.s32 $0x9C00  }
0xfd: {  	[tilespmem:s24], [sflag:$0x2] =	stream.indirect_vreg.gather [hbm4b:s8+s2], $0x80, v4, vm0, $0xb8;
	[tilespmem:$0x18400] =	vst v63  }
0xfe: {  	s24 =	simm.s32 $0xA400  }
0xff: {  	[tilespmem:s24], [sflag:$0x2] =	stream.indirect_vreg.gather [hbm4b:s3+s2], $0x80, v3, vm0, $0xb8;
	[tilespmem:$0x18400] =	vst v63  }
0x100: {  	s24 =	simm.s32 $0xAC00  }
0x101: {  	[tilespmem:s24], [sflag:$0x2] =	stream.indirect_vreg.gather [hbm4b:s6+s2], $0x80, v3, vm0, $0xb8;
	[tilespmem:$0x18400] =	vst v63  }
0x102: {  	s24 =	simm.s32 $0xB400  }
0x103: {  	[tilespmem:s24], [sflag:$0x2] =	stream.indirect_vreg.gather [hbm4b:s7+s2], $0x80, v3, vm0, $0xb8;
	[tilespmem:$0x18400] =	vst v63  }
0x104: {  	s24 =	simm.s32 $0xBC00  }
0x105: {  	[tilespmem:s24], [sflag:$0x2] =	stream.indirect_vreg.gather [hbm4b:s8+s2], $0x80, v3, vm0, $0xb8;
	[tilespmem:$0x18400] =	vst v63  }
0x106: {  	v3 =	vld [tilespmem:s0+$0xFFFFFFE0];
	_ =	sdelay $0x4  }
0x107: {  	v63 =	vshll.u32 v3, $0x3  }
0x108: {  	v3 =	vand.u32 $0x7, v3;
	v4 =	vand.u32 $0xFFFFFFC0, v63  }
0x109: {  	v3 =	vor.u32 v3, v4  }
0x10a: {  	v4 =	vperm.xlane v3, v0;
	_ =	sdelay $0x1  }
0x10b: {  	v4 =	vadd.s32 v1, v4;
	_ =	sdelay $0x3  }
0x10c: {  	s24 =	simm.s32 $0xC400  }
0x10d: {  	[tilespmem:s24], [sflag:$0x2] =	stream.indirect_vreg.gather [hbm4b:s3+s2], $0x80, v4, vm0, $0xb8;
	[tilespmem:$0x18400] =	vst v63  }
0x10e: {  	v3 =	vperm.xlane v3, v2;
	s24 =	simm.s32 $0xCC00  }
0x10f: {  	[tilespmem:s24], [sflag:$0x2] =	stream.indirect_vreg.gather [hbm4b:s6+s2], $0x80, v4, vm0, $0xb8;
	[tilespmem:$0x18400] =	vst v63  }
0x110: {  	v3 =	vadd.s32 v1, v3;
	s24 =	simm.s32 $0xD400  }
0x111: {  	[tilespmem:s24], [sflag:$0x2] =	stream.indirect_vreg.gather [hbm4b:s7+s2], $0x80, v4, vm0, $0xb8;
	[tilespmem:$0x18400] =	vst v63  }
0x112: {  	s24 =	simm.s32 $0xDC00  }
0x113: {  	[tilespmem:s24], [sflag:$0x2] =	stream.indirect_vreg.gather [hbm4b:s8+s2], $0x80, v4, vm0, $0xb8;
	[tilespmem:$0x18400] =	vst v63  }
0x114: {  	s24 =	simm.s32 $0xE400  }
0x115: {  	[tilespmem:s24], [sflag:$0x2] =	stream.indirect_vreg.gather [hbm4b:s3+s2], $0x80, v3, vm0, $0xb8;
	[tilespmem:$0x18400] =	vst v63  }
0x116: {  	s24 =	simm.s32 $0xEC00  }
0x117: {  	[tilespmem:s24], [sflag:$0x2] =	stream.indirect_vreg.gather [hbm4b:s6+s2], $0x80, v3, vm0, $0xb8;
	[tilespmem:$0x18400] =	vst v63  }
0x118: {  	_ = 	snop  }
0x119: {  	[tilespmem:s25], [sflag:$0x2] =	stream.indirect_vreg.gather [hbm4b:s7+s2], $0x80, v3, vm0, $0xb8;
	[tilespmem:$0x18400] =	vst v63  }
0x11a: {  	p0 =	seq.s32 s23, $0x1B000  }
0x11b: {  	[tilespmem:s26], [sflag:$0x2] =	stream.indirect_vreg.gather [hbm4b:s8+s2], $0x80, v3, vm0, $0xb8;
	[tilespmem:$0x18400] =	vst v63  }
.Ltmp2:
0x11c: {  	_ = 	snop;
	(pc) =	sbr.rel @p0 .LBB2_4-.Ltmp2, $4  }
0x11d: {  	_ =	swait.ge [sflag:s4], $0x8000  }
0x11e: {  	[sflag:s4] =	ssyncset.done $0x0  }
0x11f: {  	s15 =	sadd.s32 $0x3000, s15;
	[sflag:s4] =	ssyncadd.s32 $0xFFFF8000  }
0x120: {  	[hbm4b:s15+s2] =	stream.linear.scatter [tilespmem:s17], [sflag:$0x4], $0x8000, $0x38;
	[tilespmem:$0x18400] =	vst v63  }
0x121: {  	_ =	swait.ge [sflag:s22], $0x8000  }
0x122: {  	[sflag:s22] =	ssyncset.done $0x0  }
0x123: {  	[sflag:s22] =	ssyncadd.s32 $0xFFFF8000  }
0x124: {  	v3 =	vld [tilespmem:s0+$0xFFFFFFF0];
	_ =	sdelay $0x4  }
0x125: {  	v4 =	vshll.u32 v3, $0x3  }
0x126: {  	v3 =	vand.u32 $0x7, v3;
	v4 =	vand.u32 $0xFFFFFFC0, v4  }
0x127: {  	v3 =	vor.u32 v3, v4  }
0x128: {  	v4 =	vperm.xlane v3, v0;
	_ =	sdelay $0x1  }
0x129: {  	v4 =	vadd.s32 v1, v4;
	_ =	sdelay $0x4  }
0x12a: {  	[tilespmem:s28], [sflag:$0x3] =	stream.indirect_vreg.gather [hbm4b:s3+s2], $0x80, v4, vm0, $0xb8;
	[tilespmem:$0x18400] =	vst v63  }
0x12b: {  	s15 =	simm.s32 $0x10C00;
	v3 =	vperm.xlane v3, v2  }
0x12c: {  	[tilespmem:s15], [sflag:$0x3] =	stream.indirect_vreg.gather [hbm4b:s6+s2], $0x80, v4, vm0, $0xb8;
	[tilespmem:$0x18400] =	vst v63  }
0x12d: {  	s24 =	simm.s32 $0x11400;
	v3 =	vadd.s32 v1, v3  }
0x12e: {  	[tilespmem:s24], [sflag:$0x3] =	stream.indirect_vreg.gather [hbm4b:s7+s2], $0x80, v4, vm0, $0xb8;
	[tilespmem:$0x18400] =	vst v63  }
0x12f: {  	s24 =	simm.s32 $0x11C00  }
0x130: {  	[tilespmem:s24], [sflag:$0x3] =	stream.indirect_vreg.gather [hbm4b:s8+s2], $0x80, v4, vm0, $0xb8;
	[tilespmem:$0x18400] =	vst v63  }
0x131: {  	s24 =	simm.s32 $0x12400  }
0x132: {  	[tilespmem:s24], [sflag:$0x3] =	stream.indirect_vreg.gather [hbm4b:s3+s2], $0x80, v3, vm0, $0xb8;
	[tilespmem:$0x18400] =	vst v63  }
0x133: {  	s24 =	simm.s32 $0x12C00  }
0x134: {  	[tilespmem:s24], [sflag:$0x3] =	stream.indirect_vreg.gather [hbm4b:s6+s2], $0x80, v3, vm0, $0xb8;
	[tilespmem:$0x18400] =	vst v63  }
0x135: {  	s24 =	simm.s32 $0x13400  }
0x136: {  	[tilespmem:s24], [sflag:$0x3] =	stream.indirect_vreg.gather [hbm4b:s7+s2], $0x80, v3, vm0, $0xb8;
	[tilespmem:$0x18400] =	vst v63  }
0x137: {  	_ = 	snop  }
0x138: {  	[tilespmem:s5], [sflag:$0x3] =	stream.indirect_vreg.gather [hbm4b:s8+s2], $0x80, v3, vm0, $0xb8;
	[tilespmem:$0x18400] =	vst v63  }
0x139: {  	v3 =	vld [tilespmem:s0+$0x0];
	_ =	sdelay $0x4  }
0x13a: {  	v63 =	vshll.u32 v3, $0x3  }
0x13b: {  	v3 =	vand.u32 $0x7, v3;
	v4 =	vand.u32 $0xFFFFFFC0, v63  }
0x13c: {  	v3 =	vor.u32 v3, v4  }
0x13d: {  	v4 =	vperm.xlane v3, v0;
	_ =	sdelay $0x1  }
0x13e: {  	v4 =	vadd.s32 v1, v4;
	_ =	sdelay $0x4  }
0x13f: {  	[tilespmem:s10], [sflag:$0x3] =	stream.indirect_vreg.gather [hbm4b:s3+s2], $0x80, v4, vm0, $0xb8;
	[tilespmem:$0x18400] =	vst v63  }
0x140: {  	v3 =	vperm.xlane v3, v2  }
0x141: {  	[tilespmem:s11], [sflag:$0x3] =	stream.indirect_vreg.gather [hbm4b:s6+s2], $0x80, v4, vm0, $0xb8;
	[tilespmem:$0x18400] =	vst v63  }
0x142: {  	v3 =	vadd.s32 v1, v3  }
0x143: {  	[tilespmem:s9], [sflag:$0x3] =	stream.indirect_vreg.gather [hbm4b:s7+s2], $0x80, v4, vm0, $0xb8;
	[tilespmem:$0x18400] =	vst v63  }
0x144: {  	_ = 	snop  }
0x145: {  	[tilespmem:s16], [sflag:$0x3] =	stream.indirect_vreg.gather [hbm4b:s8+s2], $0x80, v4, vm0, $0xb8;
	[tilespmem:$0x18400] =	vst v63  }
0x146: {  	_ = 	snop  }
0x147: {  	[tilespmem:s18], [sflag:$0x3] =	stream.indirect_vreg.gather [hbm4b:s3+s2], $0x80, v3, vm0, $0xb8;
	[tilespmem:$0x18400] =	vst v63  }
0x148: {  	_ = 	snop  }
0x149: {  	[tilespmem:s29], [sflag:$0x3] =	stream.indirect_vreg.gather [hbm4b:s6+s2], $0x80, v3, vm0, $0xb8;
	[tilespmem:$0x18400] =	vst v63  }
.Ltmp3:
0x14a: {  	_ = 	snop;
	(pc) =	sbr.rel .LBB2_2-.Ltmp3, $4  }
0x14b: {  	_ = 	snop  }
0x14c: {  	[tilespmem:s19], [sflag:$0x3] =	stream.indirect_vreg.gather [hbm4b:s7+s2], $0x80, v3, vm0, $0xb8;
	[tilespmem:$0x18400] =	vst v63  }
0x14d: {  	s23 =	sadd.s32 $0x3000, s23;
	s0 =	sadd.s32 $0x60, s0  }
0x14e: {  	[tilespmem:s30], [sflag:$0x3] =	stream.indirect_vreg.gather [hbm4b:s8+s2], $0x80, v3, vm0, $0xb8;
	[tilespmem:$0x18400] =	vst v63  }
.LBB2_5:
0x14f: {  	_ =	sfence.sel $0x180000  }
0x150: {  	[bflag:$0x0] =	sbarrier.arrive $0xFFFF  }
0x151: {  	_ =	strace $0x90000047  }
0x152: {  	s0 =	stileid.u32;
	[bflag:$0x2] =	sbarrier.arrive $0xFFFF  }
0x153: {  	p0 =	sne.s32 s0, $0x0;
	s0 =	rddreg [dreg:$0x3]  }
0x154: {  	s0 =	sadd.s32 @!p0 $0x100000, s0  }
0x155: {  	[sflag:s0] =	ssyncadd.tile.s32 @!p0 $0x1;
	_ =	shalt  }
.Lfunc_end2:
_tile_overlayer_lowered:
.L_overlay_start_2:
0x156: {  	(tag) =	ssettag $0x2  }
0x157: {  	s0 =	rddreg [dreg:$0x0];
	s2 =	stileid.u32  }
0x158: {  	s1 =	rddreg [dreg:$0x1];
	p0 =	sne.s32 s2, $0x0  }
0x159: {  	s3 =	rddreg [dreg:$0x2];
	[bflag:$0x3] =	sbarrier.arrive $0xFFFF;
	s2 =	simm.s32 @!p0 $0x1C07  }
0x15a: {  	[timem:s3], [sflag:s2] =	dma.local @!p0 [hbm:s0], s1  }
0x15b: {  	s0 =	simm.s32 @!p0 $0x7  }
0x15c: {  	_ =	swait.ge @!p0 [sflag:s0], s1  }
0x15d: {  	s1 =	ssub.s32 @!p0 $0x0, s1;
	[sflag:s0] =	ssyncset.done @!p0 $0x0  }
0x15e: {  	[sflag:s0] =	ssyncadd.s32 @!p0 s1  }
0x15f: {  	[bflag:$0x3] =	sbarrier.arrive $0xFFFF  }
0x160: {  	_ =	shalt  }

</sc_bundles>
